<compile_context>
chip_gen: v7x
topology: tpu7x:2x2x1
jax: 0.10.2.dev20260603
libtpu: 0.0.44.dev20260713+nightly
codegen_flags: <defaults>
</compile_context>

<pallas_src>
import jax
import jax.numpy as jnp
from jax import lax
from jax.experimental import pallas as pl

_ALPHA = 3.0
_KTOP = 20


def _main_body(xt_ref, a0_ref, a1_ref, nv1_ref, nv2_ref,
               c1w_ref, b1_ref, c2w_ref, b2_ref,
               out1_ref, out2_ref):
    xbl = xt_ref[0, 0]
    a0 = a0_ref[...]
    a1 = a1_ref[...]
    n = a0.shape[0]

    x1 = lax.dot_general(xbl, a0, (((1,), (0,)), ((), ())))
    x2 = lax.dot_general(x1, a0, (((1,), (0,)), ((), ())))
    h1 = jnp.concatenate([xbl, x1, x2], axis=0)
    f1 = lax.dot_general(h1, c1w_ref[...], (((0,), (1,)), ((), ()))) + b1_ref[...]
    y1 = lax.dot_general(xbl, a1, (((1,), (0,)), ((), ())))
    y2 = lax.dot_general(y1, a1, (((1,), (0,)), ((), ())))
    h2 = jnp.concatenate([xbl, y1, y2], axis=0)
    f2 = lax.dot_general(h2, c2w_ref[...], (((0,), (1,)), ((), ()))) + b2_ref[...]

    nv1b = jnp.tanh(_ALPHA * (nv1_ref[...] * f1))
    nv2b = jnp.tanh(_ALPHA * (nv2_ref[...] * f2))
    logits = (lax.dot_general(nv1b, nv2b, (((1,), (1,)), ((), ())))
              - lax.dot_general(nv2b, nv1b, (((1,), (1,)), ((), ()))))
    adj = jnp.maximum(jnp.tanh(_ALPHA * logits), 0.0)

    t = jnp.full((n, 1), 2.0, jnp.float32)
    c = jnp.zeros((n, 1), jnp.float32)
    for _ in range(_KTOP):
        done = c >= float(_KTOP)
        m = jnp.max(jnp.where(adj < t, adj, -1.0), axis=1, keepdims=True)
        cnt = jnp.sum(jnp.where(adj == m, 1.0, 0.0), axis=1, keepdims=True)
        t = jnp.where(done, t, m)
        c = jnp.where(done, c, c + cnt)

    gt_mask = adj > t
    ngt = jnp.sum(jnp.where(gt_mask, 1.0, 0.0), axis=1, keepdims=True)
    tie = adj == t
    tief = jnp.where(tie, 1.0, 0.0)
    ii = lax.broadcasted_iota(jnp.int32, (n, n), 0)
    jj = lax.broadcasted_iota(jnp.int32, (n, n), 1)
    ltm = jnp.where(ii < jj, 1.0, 0.0)
    rank = lax.dot_general(tief, ltm, (((1,), (0,)), ((), ())))
    keep = jnp.logical_or(gt_mask,
                          jnp.logical_and(tie, rank < (float(_KTOP) - ngt)))
    adjm = jnp.where(keep, adj, 0.0)

    eye = jnp.where(ii == jj, 1.0, 0.0)
    adj1 = adjm + eye
    rs = jnp.sum(adj1, axis=1, keepdims=True)
    adjp = adj1 / rs
    out1_ref[0, 0] = adjp
    cs = jnp.sum(adjp, axis=0, keepdims=True)
    out2_ref[0, 0] = (adjp + eye) / (cs + 1.0)


def kernel(x, idx, emb1_w, emb2_w, lin1_w, lin1_b, lin2_w, lin2_b,
           conv1_w, conv1_b, conv2_w, conv2_b):
    b, c, n, l = x.shape
    f32 = jnp.float32

    nv1 = jnp.tanh(_ALPHA * (emb1_w[idx] @ lin1_w.T + lin1_b))
    nv2 = jnp.tanh(_ALPHA * (emb2_w[idx] @ lin2_w.T + lin2_b))
    d2 = jnp.sum((nv1[:, None, :] - nv2[None, :, :]) ** 2, axis=-1)
    g = jnp.exp(-d2 / (2.0 * _ALPHA ** 2))
    g = lax.stop_gradient(g)
    rowsum0 = jnp.sum(g, axis=1)
    a0 = jnp.where(rowsum0 > 0, 1.0 / rowsum0, 0.0)[:, None] * g
    gt = g.T
    rowsum1 = jnp.sum(gt, axis=1)
    a1 = jnp.where(rowsum1 > 0, 1.0 / rowsum1, 0.0)[:, None] * gt

    xt = x.transpose(0, 3, 1, 2)
    b1 = conv1_b.reshape(1, c)
    b2 = conv2_b.reshape(1, c)

    rep = lambda shape: pl.BlockSpec(shape, lambda bb, ll: tuple(0 for _ in shape))
    adjp, z = pl.pallas_call(
        _main_body,
        grid=(b, l),
        in_specs=[pl.BlockSpec((1, 1, c, n), lambda bb, ll: (bb, ll, 0, 0)),
                  rep((n, n)), rep((n, n)), rep((n, c)), rep((n, c)),
                  rep((c, 3 * c)), rep((1, c)), rep((c, 3 * c)), rep((1, c))],
        out_specs=[pl.BlockSpec((1, 1, n, n), lambda bb, ll: (bb, ll, 0, 0)),
                   pl.BlockSpec((1, 1, n, n), lambda bb, ll: (bb, ll, 0, 0))],
        out_shape=[jax.ShapeDtypeStruct((b, l, n, n), f32),
                   jax.ShapeDtypeStruct((b, l, n, n), f32)],
    )(xt, a0, a1, nv1, nv2, conv1_w, b1, conv2_w, b2)

    return (adjp, jnp.swapaxes(z, 2, 3))

# --- scband reference (transcript-rebuilt; emitter-appended) ---
"""Pipeline reference for scband-dynamic-graph-constructor-79817672229087 (READ-ONLY COPY).

The authoritative reference and input builder live on the scoring server;
editing this copy changes nothing except your own understanding.
"""

import jax, jax.numpy as jnp
import numpy as np

N = 400
B = 8
L = 12
C = 32
D = 32
ALPHA = 3.0
KTOP = 20


def setup_inputs(seed: int = 0) -> dict:
    key = jax.random.key(seed)
    ks = jax.random.split(key, 12)
    inp = {}
    inp["x"] = jax.random.normal(ks[0], (B, C, N, L), dtype=jnp.float32)
    inp["idx"] = jnp.arange(N, dtype=jnp.int32)
    inp["emb1_w"] = jax.random.normal(ks[1], (N, D), dtype=jnp.float32)
    inp["emb2_w"] = jax.random.normal(ks[2], (N, D), dtype=jnp.float32)
    inp["lin1_w"] = jax.random.normal(ks[3], (D, D), dtype=jnp.float32) * 0.1
    inp["lin1_b"] = jax.random.normal(ks[4], (D,), dtype=jnp.float32) * 0.1
    inp["lin2_w"] = jax.random.normal(ks[5], (D, D), dtype=jnp.float32) * 0.1
    inp["lin2_b"] = jax.random.normal(ks[6], (D,), dtype=jnp.float32) * 0.1
    inp["conv1_w"] = jax.random.normal(ks[7], (C, 3 * C), dtype=jnp.float32) * 0.05
    inp["conv1_b"] = jax.random.normal(ks[8], (C,), dtype=jnp.float32) * 0.05
    inp["conv2_w"] = jax.random.normal(ks[9], (C, 3 * C), dtype=jnp.float32) * 0.05
    inp["conv2_b"] = jax.random.normal(ks[10], (C,), dtype=jnp.float32) * 0.05
    return inp


def _asym_adj(adj):
    rowsum = jnp.sum(adj, axis=1)
    d_inv = jnp.where(rowsum > 0, 1.0 / rowsum, 0.0)
    return d_inv[:, None] * adj


def _gcn(xx, A, W, b):
    # gcn_gwnet with support_len=1, order=2, eval mode (dropout off)
    x1 = jnp.einsum('ncvl,vw->ncwl', xx, A)
    x2 = jnp.einsum('ncvl,vw->ncwl', x1, A)
    h = jnp.concatenate([xx, x1, x2], axis=1)
    return jnp.einsum('bcnl,oc->bonl', h, W) + b[None, :, None, None]


def _prep_adj(a_):
    n = a_.shape[-1]
    a_ = a_ + jnp.eye(n, dtype=a_.dtype)
    return a_ / jnp.sum(a_, axis=-1, keepdims=True)


def reference(x, idx, emb1_w, emb2_w, lin1_w, lin1_b, lin2_w, lin2_b, conv1_w, conv1_b, conv2_w, conv2_b):
    nv1 = jnp.tanh(ALPHA * (emb1_w[idx] @ lin1_w.T + lin1_b))
    nv2 = jnp.tanh(ALPHA * (emb2_w[idx] @ lin2_w.T + lin2_b))
    d2 = jnp.sum((nv1[:, None, :] - nv2[None, :, :]) ** 2, axis=-1)
    G = jnp.exp(-d2 / (2.0 * ALPHA ** 2))
    # torch code detaches G before asym_adj (cpu().detach().numpy())
    G = jax.lax.stop_gradient(G)
    A0 = _asym_adj(G)
    A1 = _asym_adj(G.T)
    f1 = _gcn(x, A0, conv1_w, conv1_b).transpose(0, 3, 2, 1)
    f2 = _gcn(x, A1, conv2_w, conv2_b).transpose(0, 3, 2, 1)
    nv1b = jnp.tanh(ALPHA * (nv1 * f1))
    nv2b = jnp.tanh(ALPHA * (nv2 * f2))
    a = jnp.matmul(nv1b, jnp.swapaxes(nv2b, 2, 3)) - jnp.matmul(nv2b, jnp.swapaxes(nv1b, 2, 3))
    adj = jax.nn.relu(jnp.tanh(ALPHA * a))
    s1, t1 = jax.lax.top_k(adj, KTOP)
    Bm, Lm, Nm, Km = t1.shape
    bI = jnp.arange(Bm)[:, None, None, None]
    lI = jnp.arange(Lm)[None, :, None, None]
    nI = jnp.arange(Nm)[None, None, :, None]
    mask = jnp.zeros_like(adj).at[bI, lI, nI, t1].set(1.0)
    adj = adj * mask
    adj_p = _prep_adj(adj)
    adjT = _prep_adj(jnp.swapaxes(adj_p, 2, 3))
    return (adj_p, adjT)

if __name__ == "__main__":
    import jax
    _d = setup_inputs()
    print(jax.jit(kernel)(*tuple(_d.values())))

</pallas_src>

<mosaic_0001>
module attributes {stable_mosaic.version = 14 : i64} {
  func.func @_main_body(%arg0: i32, %arg1: i32, %arg2: memref<1x1x32x400xf32, #tpu.memory_space<vmem>>, %arg3: memref<400x400xf32, #tpu.memory_space<vmem>>, %arg4: memref<400x400xf32, #tpu.memory_space<vmem>>, %arg5: memref<400x32xf32, #tpu.memory_space<vmem>>, %arg6: memref<400x32xf32, #tpu.memory_space<vmem>>, %arg7: memref<32x96xf32, #tpu.memory_space<vmem>>, %arg8: memref<1x32xf32, #tpu.memory_space<vmem>>, %arg9: memref<32x96xf32, #tpu.memory_space<vmem>>, %arg10: memref<1x32xf32, #tpu.memory_space<vmem>>, %arg11: memref<1x1x400x400xf32, #tpu.memory_space<vmem>>, %arg12: memref<1x1x400x400xf32, #tpu.memory_space<vmem>>) attributes {dimension_semantics = [#tpu.dimension_semantics<arbitrary>, #tpu.dimension_semantics<arbitrary>], iteration_bounds = array<i64: 8, 12>, scalar_prefetch = 0 : i64, scratch_operands = 0 : i64, tpu.core_type = #tpu.core_type<tc>, window_params = [{transform_indices = @transform_0, window_bounds = array<i64: 1, 1, 32, 400>}, {pipeline_mode = #tpu.pipeline_mode<synchronous>, transform_indices = @transform_1, window_bounds = array<i64: 400, 400>}, {pipeline_mode = #tpu.pipeline_mode<synchronous>, transform_indices = @transform_2, window_bounds = array<i64: 400, 400>}, {pipeline_mode = #tpu.pipeline_mode<synchronous>, transform_indices = @transform_3, window_bounds = array<i64: 400, 32>}, {pipeline_mode = #tpu.pipeline_mode<synchronous>, transform_indices = @transform_4, window_bounds = array<i64: 400, 32>}, {pipeline_mode = #tpu.pipeline_mode<synchronous>, transform_indices = @transform_5, window_bounds = array<i64: 32, 96>}, {pipeline_mode = #tpu.pipeline_mode<synchronous>, transform_indices = @transform_6, window_bounds = array<i64: 1, 32>}, {pipeline_mode = #tpu.pipeline_mode<synchronous>, transform_indices = @transform_7, window_bounds = array<i64: 32, 96>}, {pipeline_mode = #tpu.pipeline_mode<synchronous>, transform_indices = @transform_8, window_bounds = array<i64: 1, 32>}, {transform_indices = @transform_9, window_bounds = array<i64: 1, 1, 400, 400>}, {transform_indices = @transform_10, window_bounds = array<i64: 1, 1, 400, 400>}]} {
    %get3A = arith.constant 0 : index
    %get3A_0 = arith.constant 0 : index
    %get3A_1 = arith.constant 0 : index
    %get3A_2 = arith.constant 0 : index
    %get3A_3 = vector.load %arg2[%get3A, %get3A_0, %get3A_1, %get3A_2] : memref<1x1x32x400xf32, #tpu.memory_space<vmem>>, vector<1x1x32x400xf32>
    %get3A_4 = vector.shape_cast %get3A_3 : vector<1x1x32x400xf32> to vector<32x400xf32>
    %get3A_5 = arith.constant 0 : index
    %get3A_6 = arith.constant 0 : index
    %get3A_7 = vector.load %arg3[%get3A_5, %get3A_6] : memref<400x400xf32, #tpu.memory_space<vmem>>, vector<400x400xf32>
    %get3A_8 = arith.constant 0 : index
    %get3A_9 = arith.constant 0 : index
    %get3A_10 = vector.load %arg4[%get3A_8, %get3A_9] : memref<400x400xf32, #tpu.memory_space<vmem>>, vector<400x400xf32>
    %dot_general3A = arith.constant dense<0.000000e+00> : vector<32x400xf32>
    %dot_general3A_11 = tpu.matmul %get3A_4, %get3A_7, %dot_general3A {dimension_numbers = #tpu.dot_dimension_numbers<[1], [0], [0], [1], [0, 0, 1, 1], [], []>, transpose_lhs_hint = false} : vector<32x400xf32>, vector<400x400xf32>, vector<32x400xf32> -> vector<32x400xf32>
    %dot_general3A_12 = arith.constant dense<0.000000e+00> : vector<32x400xf32>
    %dot_general3A_13 = tpu.matmul %dot_general3A_11, %get3A_7, %dot_general3A_12 {dimension_numbers = #tpu.dot_dimension_numbers<[1], [0], [0], [1], [0, 0, 1, 1], [], []>, transpose_lhs_hint = false} : vector<32x400xf32>, vector<400x400xf32>, vector<32x400xf32> -> vector<32x400xf32>
    %concatenate3A = tpu.concatenate %get3A_4, %dot_general3A_11, %dot_general3A_13 in 0 : vector<32x400xf32>, vector<32x400xf32>, vector<32x400xf32> -> vector<96x400xf32>
    %get3A_14 = arith.constant 0 : index
    %get3A_15 = arith.constant 0 : index
    %get3A_16 = vector.load %arg7[%get3A_14, %get3A_15] : memref<32x96xf32, #tpu.memory_space<vmem>>, vector<32x96xf32>
    %dot_general3A_17 = arith.constant dense<0.000000e+00> : vector<400x32xf32>
    %dot_general3A_18 = tpu.matmul %concatenate3A, %get3A_16, %dot_general3A_17 {dimension_numbers = #tpu.dot_dimension_numbers<[0], [1], [1], [0], [0, 1, 1, 0], [], []>, transpose_lhs_hint = false} : vector<96x400xf32>, vector<32x96xf32>, vector<400x32xf32> -> vector<400x32xf32>
    %get3A_19 = arith.constant 0 : index
    %get3A_20 = arith.constant 0 : index
    %get3A_21 = vector.load %arg8[%get3A_19, %get3A_20] : memref<1x32xf32, #tpu.memory_space<vmem>>, vector<1x32xf32>
    %add3A = vector.broadcast %get3A_21 : vector<1x32xf32> to vector<400x32xf32>
    %add3A_22 = arith.addf %dot_general3A_18, %add3A : vector<400x32xf32>
    %dot_general3A_23 = arith.constant dense<0.000000e+00> : vector<32x400xf32>
    %dot_general3A_24 = tpu.matmul %get3A_4, %get3A_10, %dot_general3A_23 {dimension_numbers = #tpu.dot_dimension_numbers<[1], [0], [0], [1], [0, 0, 1, 1], [], []>, transpose_lhs_hint = false} : vector<32x400xf32>, vector<400x400xf32>, vector<32x400xf32> -> vector<32x400xf32>
    %dot_general3A_25 = arith.constant dense<0.000000e+00> : vector<32x400xf32>
    %dot_general3A_26 = tpu.matmul %dot_general3A_24, %get3A_10, %dot_general3A_25 {dimension_numbers = #tpu.dot_dimension_numbers<[1], [0], [0], [1], [0, 0, 1, 1], [], []>, transpose_lhs_hint = false} : vector<32x400xf32>, vector<400x400xf32>, vector<32x400xf32> -> vector<32x400xf32>
    %concatenate3A_27 = tpu.concatenate %get3A_4, %dot_general3A_24, %dot_general3A_26 in 0 : vector<32x400xf32>, vector<32x400xf32>, vector<32x400xf32> -> vector<96x400xf32>
    %get3A_28 = arith.constant 0 : index
    %get3A_29 = arith.constant 0 : index
    %get3A_30 = vector.load %arg9[%get3A_28, %get3A_29] : memref<32x96xf32, #tpu.memory_space<vmem>>, vector<32x96xf32>
    %dot_general3A_31 = arith.constant dense<0.000000e+00> : vector<400x32xf32>
    %dot_general3A_32 = tpu.matmul %concatenate3A_27, %get3A_30, %dot_general3A_31 {dimension_numbers = #tpu.dot_dimension_numbers<[0], [1], [1], [0], [0, 1, 1, 0], [], []>, transpose_lhs_hint = false} : vector<96x400xf32>, vector<32x96xf32>, vector<400x32xf32> -> vector<400x32xf32>
    %get3A_33 = arith.constant 0 : index
    %get3A_34 = arith.constant 0 : index
    %get3A_35 = vector.load %arg10[%get3A_33, %get3A_34] : memref<1x32xf32, #tpu.memory_space<vmem>>, vector<1x32xf32>
    %add3A_36 = vector.broadcast %get3A_35 : vector<1x32xf32> to vector<400x32xf32>
    %add3A_37 = arith.addf %dot_general3A_32, %add3A_36 : vector<400x32xf32>
    %get3A_38 = arith.constant 0 : index
    %get3A_39 = arith.constant 0 : index
    %get3A_40 = vector.load %arg5[%get3A_38, %get3A_39] : memref<400x32xf32, #tpu.memory_space<vmem>>, vector<400x32xf32>
    %mul3A = arith.mulf %get3A_40, %add3A_22 : vector<400x32xf32>
    %mul3A_41 = arith.constant 3.000000e+00 : f32
    %mul3A_42 = vector.broadcast %mul3A_41 : f32 to vector<400x32xf32>
    %mul3A_43 = arith.mulf %mul3A_42, %mul3A : vector<400x32xf32>
    %tanh3A = math.tanh %mul3A_43 : vector<400x32xf32>
    %get3A_44 = arith.constant 0 : index
    %get3A_45 = arith.constant 0 : index
    %get3A_46 = vector.load %arg6[%get3A_44, %get3A_45] : memref<400x32xf32, #tpu.memory_space<vmem>>, vector<400x32xf32>
    %mul3A_47 = arith.mulf %get3A_46, %add3A_37 : vector<400x32xf32>
    %mul3A_48 = arith.constant 3.000000e+00 : f32
    %mul3A_49 = vector.broadcast %mul3A_48 : f32 to vector<400x32xf32>
    %mul3A_50 = arith.mulf %mul3A_49, %mul3A_47 : vector<400x32xf32>
    %tanh3A_51 = math.tanh %mul3A_50 : vector<400x32xf32>
    %dot_general3A_52 = arith.constant dense<0.000000e+00> : vector<400x400xf32>
    %dot_general3A_53 = tpu.matmul %tanh3A, %tanh3A_51, %dot_general3A_52 {dimension_numbers = #tpu.dot_dimension_numbers<[1], [1], [0], [0], [0, 0, 1, 0], [], []>, transpose_lhs_hint = false} : vector<400x32xf32>, vector<400x32xf32>, vector<400x400xf32> -> vector<400x400xf32>
    %dot_general3A_54 = arith.constant dense<0.000000e+00> : vector<400x400xf32>
    %dot_general3A_55 = tpu.matmul %tanh3A_51, %tanh3A, %dot_general3A_54 {dimension_numbers = #tpu.dot_dimension_numbers<[1], [1], [0], [0], [0, 0, 1, 0], [], []>, transpose_lhs_hint = false} : vector<400x32xf32>, vector<400x32xf32>, vector<400x400xf32> -> vector<400x400xf32>
    %sub3A = arith.subf %dot_general3A_53, %dot_general3A_55 : vector<400x400xf32>
    %mul3A_56 = arith.constant 3.000000e+00 : f32
    %mul3A_57 = vector.broadcast %mul3A_56 : f32 to vector<400x400xf32>
    %mul3A_58 = arith.mulf %mul3A_57, %sub3A : vector<400x400xf32>
    %tanh3A_59 = math.tanh %mul3A_58 : vector<400x400xf32>
    %max3A = arith.constant 0.000000e+00 : f32
    %max3A_60 = vector.broadcast %max3A : f32 to vector<400x400xf32>
    %max3A_61 = arith.maximumf %tanh3A_59, %max3A_60 : vector<400x400xf32>
    %broadcast_in_dim3A = arith.constant 2.000000e+00 : f32
    %broadcast_in_dim3A_62 = vector.broadcast %broadcast_in_dim3A : f32 to vector<400x1xf32>
    %broadcast_in_dim3A_63 = arith.constant 0.000000e+00 : f32
    %broadcast_in_dim3A_64 = vector.broadcast %broadcast_in_dim3A_63 : f32 to vector<400x1xf32>
    %ge3A = arith.constant 2.000000e+01 : f32
    %ge3A_65 = vector.broadcast %ge3A : f32 to vector<400x1xf32>
    %ge3A_66 = arith.cmpf oge, %broadcast_in_dim3A_64, %ge3A_65 : vector<400x1xf32>
    %lt3A = vector.broadcast %broadcast_in_dim3A_62 : vector<400x1xf32> to vector<400x400xf32>
    %lt3A_67 = arith.cmpf olt, %max3A_61, %lt3A : vector<400x400xf32>
    %jit3A = arith.constant -1.000000e+00 : f32
    %broadcast_in_dim3A_68 = vector.broadcast %jit3A : f32 to vector<400x400xf32>
    %select_n3A = arith.select %lt3A_67, %max3A_61, %broadcast_in_dim3A_68 : vector<400x400xi1>, vector<400x400xf32>
    %reduce_max3A = arith.constant dense<0xFF800000> : vector<400xf32>
    %reduce_max3A_69 = vector.multi_reduction <maximumf>, %select_n3A, %reduce_max3A [1] : vector<400x400xf32> to vector<400xf32>
    %broadcast_in_dim3A_70 = vector.shape_cast %reduce_max3A_69 : vector<400xf32> to vector<400x1xf32>
    %eq3A = vector.broadcast %broadcast_in_dim3A_70 : vector<400x1xf32> to vector<400x400xf32>
    %eq3A_71 = arith.cmpf oeq, %max3A_61, %eq3A : vector<400x400xf32>
    %jit3A_72 = arith.constant 1.000000e+00 : f32
    %jit3A_73 = arith.constant 0.000000e+00 : f32
    %broadcast_in_dim3A_74 = vector.broadcast %jit3A_72 : f32 to vector<400x400xf32>
    %broadcast_in_dim3A_75 = vector.broadcast %jit3A_73 : f32 to vector<400x400xf32>
    %select_n3A_76 = arith.select %eq3A_71, %broadcast_in_dim3A_74, %broadcast_in_dim3A_75 : vector<400x400xi1>, vector<400x400xf32>
    %reduce_sum3A = arith.constant dense<0.000000e+00> : vector<400xf32>
    %reduce_sum3A_77 = vector.multi_reduction <add>, %select_n3A_76, %reduce_sum3A [1] : vector<400x400xf32> to vector<400xf32>
    %broadcast_in_dim3A_78 = vector.shape_cast %reduce_sum3A_77 : vector<400xf32> to vector<400x1xf32>
    %select_n3A_79 = arith.select %ge3A_66, %broadcast_in_dim3A_62, %broadcast_in_dim3A_70 : vector<400x1xi1>, vector<400x1xf32>
    %add3A_80 = arith.addf %broadcast_in_dim3A_64, %broadcast_in_dim3A_78 : vector<400x1xf32>
    %select_n3A_81 = arith.select %ge3A_66, %broadcast_in_dim3A_64, %add3A_80 : vector<400x1xi1>, vector<400x1xf32>
    %ge3A_82 = arith.constant 2.000000e+01 : f32
    %ge3A_83 = vector.broadcast %ge3A_82 : f32 to vector<400x1xf32>
    %ge3A_84 = arith.cmpf oge, %select_n3A_81, %ge3A_83 : vector<400x1xf32>
    %lt3A_85 = vector.broadcast %select_n3A_79 : vector<400x1xf32> to vector<400x400xf32>
    %lt3A_86 = arith.cmpf olt, %max3A_61, %lt3A_85 : vector<400x400xf32>
    %jit3A_87 = arith.constant -1.000000e+00 : f32
    %broadcast_in_dim3A_88 = vector.broadcast %jit3A_87 : f32 to vector<400x400xf32>
    %select_n3A_89 = arith.select %lt3A_86, %max3A_61, %broadcast_in_dim3A_88 : vector<400x400xi1>, vector<400x400xf32>
    %reduce_max3A_90 = arith.constant dense<0xFF800000> : vector<400xf32>
    %reduce_max3A_91 = vector.multi_reduction <maximumf>, %select_n3A_89, %reduce_max3A_90 [1] : vector<400x400xf32> to vector<400xf32>
    %broadcast_in_dim3A_92 = vector.shape_cast %reduce_max3A_91 : vector<400xf32> to vector<400x1xf32>
    %eq3A_93 = vector.broadcast %broadcast_in_dim3A_92 : vector<400x1xf32> to vector<400x400xf32>
    %eq3A_94 = arith.cmpf oeq, %max3A_61, %eq3A_93 : vector<400x400xf32>
    %jit3A_95 = arith.constant 1.000000e+00 : f32
    %jit3A_96 = arith.constant 0.000000e+00 : f32
    %broadcast_in_dim3A_97 = vector.broadcast %jit3A_95 : f32 to vector<400x400xf32>
    %broadcast_in_dim3A_98 = vector.broadcast %jit3A_96 : f32 to vector<400x400xf32>
    %select_n3A_99 = arith.select %eq3A_94, %broadcast_in_dim3A_97, %broadcast_in_dim3A_98 : vector<400x400xi1>, vector<400x400xf32>
    %reduce_sum3A_100 = arith.constant dense<0.000000e+00> : vector<400xf32>
    %reduce_sum3A_101 = vector.multi_reduction <add>, %select_n3A_99, %reduce_sum3A_100 [1] : vector<400x400xf32> to vector<400xf32>
    %broadcast_in_dim3A_102 = vector.shape_cast %reduce_sum3A_101 : vector<400xf32> to vector<400x1xf32>
    %select_n3A_103 = arith.select %ge3A_84, %select_n3A_79, %broadcast_in_dim3A_92 : vector<400x1xi1>, vector<400x1xf32>
    %add3A_104 = arith.addf %select_n3A_81, %broadcast_in_dim3A_102 : vector<400x1xf32>
    %select_n3A_105 = arith.select %ge3A_84, %select_n3A_81, %add3A_104 : vector<400x1xi1>, vector<400x1xf32>
    %ge3A_106 = arith.constant 2.000000e+01 : f32
    %ge3A_107 = vector.broadcast %ge3A_106 : f32 to vector<400x1xf32>
    %ge3A_108 = arith.cmpf oge, %select_n3A_105, %ge3A_107 : vector<400x1xf32>
    %lt3A_109 = vector.broadcast %select_n3A_103 : vector<400x1xf32> to vector<400x400xf32>
    %lt3A_110 = arith.cmpf olt, %max3A_61, %lt3A_109 : vector<400x400xf32>
    %jit3A_111 = arith.constant -1.000000e+00 : f32
    %broadcast_in_dim3A_112 = vector.broadcast %jit3A_111 : f32 to vector<400x400xf32>
    %select_n3A_113 = arith.select %lt3A_110, %max3A_61, %broadcast_in_dim3A_112 : vector<400x400xi1>, vector<400x400xf32>
    %reduce_max3A_114 = arith.constant dense<0xFF800000> : vector<400xf32>
    %reduce_max3A_115 = vector.multi_reduction <maximumf>, %select_n3A_113, %reduce_max3A_114 [1] : vector<400x400xf32> to vector<400xf32>
    %broadcast_in_dim3A_116 = vector.shape_cast %reduce_max3A_115 : vector<400xf32> to vector<400x1xf32>
    %eq3A_117 = vector.broadcast %broadcast_in_dim3A_116 : vector<400x1xf32> to vector<400x400xf32>
    %eq3A_118 = arith.cmpf oeq, %max3A_61, %eq3A_117 : vector<400x400xf32>
    %jit3A_119 = arith.constant 1.000000e+00 : f32
    %jit3A_120 = arith.constant 0.000000e+00 : f32
    %broadcast_in_dim3A_121 = vector.broadcast %jit3A_119 : f32 to vector<400x400xf32>
    %broadcast_in_dim3A_122 = vector.broadcast %jit3A_120 : f32 to vector<400x400xf32>
    %select_n3A_123 = arith.select %eq3A_118, %broadcast_in_dim3A_121, %broadcast_in_dim3A_122 : vector<400x400xi1>, vector<400x400xf32>
    %reduce_sum3A_124 = arith.constant dense<0.000000e+00> : vector<400xf32>
    %reduce_sum3A_125 = vector.multi_reduction <add>, %select_n3A_123, %reduce_sum3A_124 [1] : vector<400x400xf32> to vector<400xf32>
    %broadcast_in_dim3A_126 = vector.shape_cast %reduce_sum3A_125 : vector<400xf32> to vector<400x1xf32>
    %select_n3A_127 = arith.select %ge3A_108, %select_n3A_103, %broadcast_in_dim3A_116 : vector<400x1xi1>, vector<400x1xf32>
    %add3A_128 = arith.addf %select_n3A_105, %broadcast_in_dim3A_126 : vector<400x1xf32>
    %select_n3A_129 = arith.select %ge3A_108, %select_n3A_105, %add3A_128 : vector<400x1xi1>, vector<400x1xf32>
    %ge3A_130 = arith.constant 2.000000e+01 : f32
    %ge3A_131 = vector.broadcast %ge3A_130 : f32 to vector<400x1xf32>
    %ge3A_132 = arith.cmpf oge, %select_n3A_129, %ge3A_131 : vector<400x1xf32>
    %lt3A_133 = vector.broadcast %select_n3A_127 : vector<400x1xf32> to vector<400x400xf32>
    %lt3A_134 = arith.cmpf olt, %max3A_61, %lt3A_133 : vector<400x400xf32>
    %jit3A_135 = arith.constant -1.000000e+00 : f32
    %broadcast_in_dim3A_136 = vector.broadcast %jit3A_135 : f32 to vector<400x400xf32>
    %select_n3A_137 = arith.select %lt3A_134, %max3A_61, %broadcast_in_dim3A_136 : vector<400x400xi1>, vector<400x400xf32>
    %reduce_max3A_138 = arith.constant dense<0xFF800000> : vector<400xf32>
    %reduce_max3A_139 = vector.multi_reduction <maximumf>, %select_n3A_137, %reduce_max3A_138 [1] : vector<400x400xf32> to vector<400xf32>
    %broadcast_in_dim3A_140 = vector.shape_cast %reduce_max3A_139 : vector<400xf32> to vector<400x1xf32>
    %eq3A_141 = vector.broadcast %broadcast_in_dim3A_140 : vector<400x1xf32> to vector<400x400xf32>
    %eq3A_142 = arith.cmpf oeq, %max3A_61, %eq3A_141 : vector<400x400xf32>
    %jit3A_143 = arith.constant 1.000000e+00 : f32
    %jit3A_144 = arith.constant 0.000000e+00 : f32
    %broadcast_in_dim3A_145 = vector.broadcast %jit3A_143 : f32 to vector<400x400xf32>
    %broadcast_in_dim3A_146 = vector.broadcast %jit3A_144 : f32 to vector<400x400xf32>
    %select_n3A_147 = arith.select %eq3A_142, %broadcast_in_dim3A_145, %broadcast_in_dim3A_146 : vector<400x400xi1>, vector<400x400xf32>
    %reduce_sum3A_148 = arith.constant dense<0.000000e+00> : vector<400xf32>
    %reduce_sum3A_149 = vector.multi_reduction <add>, %select_n3A_147, %reduce_sum3A_148 [1] : vector<400x400xf32> to vector<400xf32>
    %broadcast_in_dim3A_150 = vector.shape_cast %reduce_sum3A_149 : vector<400xf32> to vector<400x1xf32>
    %select_n3A_151 = arith.select %ge3A_132, %select_n3A_127, %broadcast_in_dim3A_140 : vector<400x1xi1>, vector<400x1xf32>
    %add3A_152 = arith.addf %select_n3A_129, %broadcast_in_dim3A_150 : vector<400x1xf32>
    %select_n3A_153 = arith.select %ge3A_132, %select_n3A_129, %add3A_152 : vector<400x1xi1>, vector<400x1xf32>
    %ge3A_154 = arith.constant 2.000000e+01 : f32
    %ge3A_155 = vector.broadcast %ge3A_154 : f32 to vector<400x1xf32>
    %ge3A_156 = arith.cmpf oge, %select_n3A_153, %ge3A_155 : vector<400x1xf32>
    %lt3A_157 = vector.broadcast %select_n3A_151 : vector<400x1xf32> to vector<400x400xf32>
    %lt3A_158 = arith.cmpf olt, %max3A_61, %lt3A_157 : vector<400x400xf32>
    %jit3A_159 = arith.constant -1.000000e+00 : f32
    %broadcast_in_dim3A_160 = vector.broadcast %jit3A_159 : f32 to vector<400x400xf32>
    %select_n3A_161 = arith.select %lt3A_158, %max3A_61, %broadcast_in_dim3A_160 : vector<400x400xi1>, vector<400x400xf32>
    %reduce_max3A_162 = arith.constant dense<0xFF800000> : vector<400xf32>
    %reduce_max3A_163 = vector.multi_reduction <maximumf>, %select_n3A_161, %reduce_max3A_162 [1] : vector<400x400xf32> to vector<400xf32>
    %broadcast_in_dim3A_164 = vector.shape_cast %reduce_max3A_163 : vector<400xf32> to vector<400x1xf32>
    %eq3A_165 = vector.broadcast %broadcast_in_dim3A_164 : vector<400x1xf32> to vector<400x400xf32>
    %eq3A_166 = arith.cmpf oeq, %max3A_61, %eq3A_165 : vector<400x400xf32>
    %jit3A_167 = arith.constant 1.000000e+00 : f32
    %jit3A_168 = arith.constant 0.000000e+00 : f32
    %broadcast_in_dim3A_169 = vector.broadcast %jit3A_167 : f32 to vector<400x400xf32>
    %broadcast_in_dim3A_170 = vector.broadcast %jit3A_168 : f32 to vector<400x400xf32>
    %select_n3A_171 = arith.select %eq3A_166, %broadcast_in_dim3A_169, %broadcast_in_dim3A_170 : vector<400x400xi1>, vector<400x400xf32>
    %reduce_sum3A_172 = arith.constant dense<0.000000e+00> : vector<400xf32>
    %reduce_sum3A_173 = vector.multi_reduction <add>, %select_n3A_171, %reduce_sum3A_172 [1] : vector<400x400xf32> to vector<400xf32>
    %broadcast_in_dim3A_174 = vector.shape_cast %reduce_sum3A_173 : vector<400xf32> to vector<400x1xf32>
    %select_n3A_175 = arith.select %ge3A_156, %select_n3A_151, %broadcast_in_dim3A_164 : vector<400x1xi1>, vector<400x1xf32>
    %add3A_176 = arith.addf %select_n3A_153, %broadcast_in_dim3A_174 : vector<400x1xf32>
    %select_n3A_177 = arith.select %ge3A_156, %select_n3A_153, %add3A_176 : vector<400x1xi1>, vector<400x1xf32>
    %ge3A_178 = arith.constant 2.000000e+01 : f32
    %ge3A_179 = vector.broadcast %ge3A_178 : f32 to vector<400x1xf32>
    %ge3A_180 = arith.cmpf oge, %select_n3A_177, %ge3A_179 : vector<400x1xf32>
    %lt3A_181 = vector.broadcast %select_n3A_175 : vector<400x1xf32> to vector<400x400xf32>
    %lt3A_182 = arith.cmpf olt, %max3A_61, %lt3A_181 : vector<400x400xf32>
    %jit3A_183 = arith.constant -1.000000e+00 : f32
    %broadcast_in_dim3A_184 = vector.broadcast %jit3A_183 : f32 to vector<400x400xf32>
    %select_n3A_185 = arith.select %lt3A_182, %max3A_61, %broadcast_in_dim3A_184 : vector<400x400xi1>, vector<400x400xf32>
    %reduce_max3A_186 = arith.constant dense<0xFF800000> : vector<400xf32>
    %reduce_max3A_187 = vector.multi_reduction <maximumf>, %select_n3A_185, %reduce_max3A_186 [1] : vector<400x400xf32> to vector<400xf32>
    %broadcast_in_dim3A_188 = vector.shape_cast %reduce_max3A_187 : vector<400xf32> to vector<400x1xf32>
    %eq3A_189 = vector.broadcast %broadcast_in_dim3A_188 : vector<400x1xf32> to vector<400x400xf32>
    %eq3A_190 = arith.cmpf oeq, %max3A_61, %eq3A_189 : vector<400x400xf32>
    %jit3A_191 = arith.constant 1.000000e+00 : f32
    %jit3A_192 = arith.constant 0.000000e+00 : f32
    %broadcast_in_dim3A_193 = vector.broadcast %jit3A_191 : f32 to vector<400x400xf32>
    %broadcast_in_dim3A_194 = vector.broadcast %jit3A_192 : f32 to vector<400x400xf32>
    %select_n3A_195 = arith.select %eq3A_190, %broadcast_in_dim3A_193, %broadcast_in_dim3A_194 : vector<400x400xi1>, vector<400x400xf32>
    %reduce_sum3A_196 = arith.constant dense<0.000000e+00> : vector<400xf32>
    %reduce_sum3A_197 = vector.multi_reduction <add>, %select_n3A_195, %reduce_sum3A_196 [1] : vector<400x400xf32> to vector<400xf32>
    %broadcast_in_dim3A_198 = vector.shape_cast %reduce_sum3A_197 : vector<400xf32> to vector<400x1xf32>
    %select_n3A_199 = arith.select %ge3A_180, %select_n3A_175, %broadcast_in_dim3A_188 : vector<400x1xi1>, vector<400x1xf32>
    %add3A_200 = arith.addf %select_n3A_177, %broadcast_in_dim3A_198 : vector<400x1xf32>
    %select_n3A_201 = arith.select %ge3A_180, %select_n3A_177, %add3A_200 : vector<400x1xi1>, vector<400x1xf32>
    %ge3A_202 = arith.constant 2.000000e+01 : f32
    %ge3A_203 = vector.broadcast %ge3A_202 : f32 to vector<400x1xf32>
    %ge3A_204 = arith.cmpf oge, %select_n3A_201, %ge3A_203 : vector<400x1xf32>
    %lt3A_205 = vector.broadcast %select_n3A_199 : vector<400x1xf32> to vector<400x400xf32>
    %lt3A_206 = arith.cmpf olt, %max3A_61, %lt3A_205 : vector<400x400xf32>
    %jit3A_207 = arith.constant -1.000000e+00 : f32
    %broadcast_in_dim3A_208 = vector.broadcast %jit3A_207 : f32 to vector<400x400xf32>
    %select_n3A_209 = arith.select %lt3A_206, %max3A_61, %broadcast_in_dim3A_208 : vector<400x400xi1>, vector<400x400xf32>
    %reduce_max3A_210 = arith.constant dense<0xFF800000> : vector<400xf32>
    %reduce_max3A_211 = vector.multi_reduction <maximumf>, %select_n3A_209, %reduce_max3A_210 [1] : vector<400x400xf32> to vector<400xf32>
    %broadcast_in_dim3A_212 = vector.shape_cast %reduce_max3A_211 : vector<400xf32> to vector<400x1xf32>
    %eq3A_213 = vector.broadcast %broadcast_in_dim3A_212 : vector<400x1xf32> to vector<400x400xf32>
    %eq3A_214 = arith.cmpf oeq, %max3A_61, %eq3A_213 : vector<400x400xf32>
    %jit3A_215 = arith.constant 1.000000e+00 : f32
    %jit3A_216 = arith.constant 0.000000e+00 : f32
    %broadcast_in_dim3A_217 = vector.broadcast %jit3A_215 : f32 to vector<400x400xf32>
    %broadcast_in_dim3A_218 = vector.broadcast %jit3A_216 : f32 to vector<400x400xf32>
    %select_n3A_219 = arith.select %eq3A_214, %broadcast_in_dim3A_217, %broadcast_in_dim3A_218 : vector<400x400xi1>, vector<400x400xf32>
    %reduce_sum3A_220 = arith.constant dense<0.000000e+00> : vector<400xf32>
    %reduce_sum3A_221 = vector.multi_reduction <add>, %select_n3A_219, %reduce_sum3A_220 [1] : vector<400x400xf32> to vector<400xf32>
    %broadcast_in_dim3A_222 = vector.shape_cast %reduce_sum3A_221 : vector<400xf32> to vector<400x1xf32>
    %select_n3A_223 = arith.select %ge3A_204, %select_n3A_199, %broadcast_in_dim3A_212 : vector<400x1xi1>, vector<400x1xf32>
    %add3A_224 = arith.addf %select_n3A_201, %broadcast_in_dim3A_222 : vector<400x1xf32>
    %select_n3A_225 = arith.select %ge3A_204, %select_n3A_201, %add3A_224 : vector<400x1xi1>, vector<400x1xf32>
    %ge3A_226 = arith.constant 2.000000e+01 : f32
    %ge3A_227 = vector.broadcast %ge3A_226 : f32 to vector<400x1xf32>
    %ge3A_228 = arith.cmpf oge, %select_n3A_225, %ge3A_227 : vector<400x1xf32>
    %lt3A_229 = vector.broadcast %select_n3A_223 : vector<400x1xf32> to vector<400x400xf32>
    %lt3A_230 = arith.cmpf olt, %max3A_61, %lt3A_229 : vector<400x400xf32>
    %jit3A_231 = arith.constant -1.000000e+00 : f32
    %broadcast_in_dim3A_232 = vector.broadcast %jit3A_231 : f32 to vector<400x400xf32>
    %select_n3A_233 = arith.select %lt3A_230, %max3A_61, %broadcast_in_dim3A_232 : vector<400x400xi1>, vector<400x400xf32>
    %reduce_max3A_234 = arith.constant dense<0xFF800000> : vector<400xf32>
    %reduce_max3A_235 = vector.multi_reduction <maximumf>, %select_n3A_233, %reduce_max3A_234 [1] : vector<400x400xf32> to vector<400xf32>
    %broadcast_in_dim3A_236 = vector.shape_cast %reduce_max3A_235 : vector<400xf32> to vector<400x1xf32>
    %eq3A_237 = vector.broadcast %broadcast_in_dim3A_236 : vector<400x1xf32> to vector<400x400xf32>
    %eq3A_238 = arith.cmpf oeq, %max3A_61, %eq3A_237 : vector<400x400xf32>
    %jit3A_239 = arith.constant 1.000000e+00 : f32
    %jit3A_240 = arith.constant 0.000000e+00 : f32
    %broadcast_in_dim3A_241 = vector.broadcast %jit3A_239 : f32 to vector<400x400xf32>
    %broadcast_in_dim3A_242 = vector.broadcast %jit3A_240 : f32 to vector<400x400xf32>
    %select_n3A_243 = arith.select %eq3A_238, %broadcast_in_dim3A_241, %broadcast_in_dim3A_242 : vector<400x400xi1>, vector<400x400xf32>
    %reduce_sum3A_244 = arith.constant dense<0.000000e+00> : vector<400xf32>
    %reduce_sum3A_245 = vector.multi_reduction <add>, %select_n3A_243, %reduce_sum3A_244 [1] : vector<400x400xf32> to vector<400xf32>
    %broadcast_in_dim3A_246 = vector.shape_cast %reduce_sum3A_245 : vector<400xf32> to vector<400x1xf32>
    %select_n3A_247 = arith.select %ge3A_228, %select_n3A_223, %broadcast_in_dim3A_236 : vector<400x1xi1>, vector<400x1xf32>
    %add3A_248 = arith.addf %select_n3A_225, %broadcast_in_dim3A_246 : vector<400x1xf32>
    %select_n3A_249 = arith.select %ge3A_228, %select_n3A_225, %add3A_248 : vector<400x1xi1>, vector<400x1xf32>
    %ge3A_250 = arith.constant 2.000000e+01 : f32
    %ge3A_251 = vector.broadcast %ge3A_250 : f32 to vector<400x1xf32>
    %ge3A_252 = arith.cmpf oge, %select_n3A_249, %ge3A_251 : vector<400x1xf32>
    %lt3A_253 = vector.broadcast %select_n3A_247 : vector<400x1xf32> to vector<400x400xf32>
    %lt3A_254 = arith.cmpf olt, %max3A_61, %lt3A_253 : vector<400x400xf32>
    %jit3A_255 = arith.constant -1.000000e+00 : f32
    %broadcast_in_dim3A_256 = vector.broadcast %jit3A_255 : f32 to vector<400x400xf32>
    %select_n3A_257 = arith.select %lt3A_254, %max3A_61, %broadcast_in_dim3A_256 : vector<400x400xi1>, vector<400x400xf32>
    %reduce_max3A_258 = arith.constant dense<0xFF800000> : vector<400xf32>
    %reduce_max3A_259 = vector.multi_reduction <maximumf>, %select_n3A_257, %reduce_max3A_258 [1] : vector<400x400xf32> to vector<400xf32>
    %broadcast_in_dim3A_260 = vector.shape_cast %reduce_max3A_259 : vector<400xf32> to vector<400x1xf32>
    %eq3A_261 = vector.broadcast %broadcast_in_dim3A_260 : vector<400x1xf32> to vector<400x400xf32>
    %eq3A_262 = arith.cmpf oeq, %max3A_61, %eq3A_261 : vector<400x400xf32>
    %jit3A_263 = arith.constant 1.000000e+00 : f32
    %jit3A_264 = arith.constant 0.000000e+00 : f32
    %broadcast_in_dim3A_265 = vector.broadcast %jit3A_263 : f32 to vector<400x400xf32>
    %broadcast_in_dim3A_266 = vector.broadcast %jit3A_264 : f32 to vector<400x400xf32>
    %select_n3A_267 = arith.select %eq3A_262, %broadcast_in_dim3A_265, %broadcast_in_dim3A_266 : vector<400x400xi1>, vector<400x400xf32>
    %reduce_sum3A_268 = arith.constant dense<0.000000e+00> : vector<400xf32>
    %reduce_sum3A_269 = vector.multi_reduction <add>, %select_n3A_267, %reduce_sum3A_268 [1] : vector<400x400xf32> to vector<400xf32>
    %broadcast_in_dim3A_270 = vector.shape_cast %reduce_sum3A_269 : vector<400xf32> to vector<400x1xf32>
    %select_n3A_271 = arith.select %ge3A_252, %select_n3A_247, %broadcast_in_dim3A_260 : vector<400x1xi1>, vector<400x1xf32>
    %add3A_272 = arith.addf %select_n3A_249, %broadcast_in_dim3A_270 : vector<400x1xf32>
    %select_n3A_273 = arith.select %ge3A_252, %select_n3A_249, %add3A_272 : vector<400x1xi1>, vector<400x1xf32>
    %ge3A_274 = arith.constant 2.000000e+01 : f32
    %ge3A_275 = vector.broadcast %ge3A_274 : f32 to vector<400x1xf32>
    %ge3A_276 = arith.cmpf oge, %select_n3A_273, %ge3A_275 : vector<400x1xf32>
    %lt3A_277 = vector.broadcast %select_n3A_271 : vector<400x1xf32> to vector<400x400xf32>
    %lt3A_278 = arith.cmpf olt, %max3A_61, %lt3A_277 : vector<400x400xf32>
    %jit3A_279 = arith.constant -1.000000e+00 : f32
    %broadcast_in_dim3A_280 = vector.broadcast %jit3A_279 : f32 to vector<400x400xf32>
    %select_n3A_281 = arith.select %lt3A_278, %max3A_61, %broadcast_in_dim3A_280 : vector<400x400xi1>, vector<400x400xf32>
    %reduce_max3A_282 = arith.constant dense<0xFF800000> : vector<400xf32>
    %reduce_max3A_283 = vector.multi_reduction <maximumf>, %select_n3A_281, %reduce_max3A_282 [1] : vector<400x400xf32> to vector<400xf32>
    %broadcast_in_dim3A_284 = vector.shape_cast %reduce_max3A_283 : vector<400xf32> to vector<400x1xf32>
    %eq3A_285 = vector.broadcast %broadcast_in_dim3A_284 : vector<400x1xf32> to vector<400x400xf32>
    %eq3A_286 = arith.cmpf oeq, %max3A_61, %eq3A_285 : vector<400x400xf32>
    %jit3A_287 = arith.constant 1.000000e+00 : f32
    %jit3A_288 = arith.constant 0.000000e+00 : f32
    %broadcast_in_dim3A_289 = vector.broadcast %jit3A_287 : f32 to vector<400x400xf32>
    %broadcast_in_dim3A_290 = vector.broadcast %jit3A_288 : f32 to vector<400x400xf32>
    %select_n3A_291 = arith.select %eq3A_286, %broadcast_in_dim3A_289, %broadcast_in_dim3A_290 : vector<400x400xi1>, vector<400x400xf32>
    %reduce_sum3A_292 = arith.constant dense<0.000000e+00> : vector<400xf32>
    %reduce_sum3A_293 = vector.multi_reduction <add>, %select_n3A_291, %reduce_sum3A_292 [1] : vector<400x400xf32> to vector<400xf32>
    %broadcast_in_dim3A_294 = vector.shape_cast %reduce_sum3A_293 : vector<400xf32> to vector<400x1xf32>
    %select_n3A_295 = arith.select %ge3A_276, %select_n3A_271, %broadcast_in_dim3A_284 : vector<400x1xi1>, vector<400x1xf32>
    %add3A_296 = arith.addf %select_n3A_273, %broadcast_in_dim3A_294 : vector<400x1xf32>
    %select_n3A_297 = arith.select %ge3A_276, %select_n3A_273, %add3A_296 : vector<400x1xi1>, vector<400x1xf32>
    %ge3A_298 = arith.constant 2.000000e+01 : f32
    %ge3A_299 = vector.broadcast %ge3A_298 : f32 to vector<400x1xf32>
    %ge3A_300 = arith.cmpf oge, %select_n3A_297, %ge3A_299 : vector<400x1xf32>
    %lt3A_301 = vector.broadcast %select_n3A_295 : vector<400x1xf32> to vector<400x400xf32>
    %lt3A_302 = arith.cmpf olt, %max3A_61, %lt3A_301 : vector<400x400xf32>
    %jit3A_303 = arith.constant -1.000000e+00 : f32
    %broadcast_in_dim3A_304 = vector.broadcast %jit3A_303 : f32 to vector<400x400xf32>
    %select_n3A_305 = arith.select %lt3A_302, %max3A_61, %broadcast_in_dim3A_304 : vector<400x400xi1>, vector<400x400xf32>
    %reduce_max3A_306 = arith.constant dense<0xFF800000> : vector<400xf32>
    %reduce_max3A_307 = vector.multi_reduction <maximumf>, %select_n3A_305, %reduce_max3A_306 [1] : vector<400x400xf32> to vector<400xf32>
    %broadcast_in_dim3A_308 = vector.shape_cast %reduce_max3A_307 : vector<400xf32> to vector<400x1xf32>
    %eq3A_309 = vector.broadcast %broadcast_in_dim3A_308 : vector<400x1xf32> to vector<400x400xf32>
    %eq3A_310 = arith.cmpf oeq, %max3A_61, %eq3A_309 : vector<400x400xf32>
    %jit3A_311 = arith.constant 1.000000e+00 : f32
    %jit3A_312 = arith.constant 0.000000e+00 : f32
    %broadcast_in_dim3A_313 = vector.broadcast %jit3A_311 : f32 to vector<400x400xf32>
    %broadcast_in_dim3A_314 = vector.broadcast %jit3A_312 : f32 to vector<400x400xf32>
    %select_n3A_315 = arith.select %eq3A_310, %broadcast_in_dim3A_313, %broadcast_in_dim3A_314 : vector<400x400xi1>, vector<400x400xf32>
    %reduce_sum3A_316 = arith.constant dense<0.000000e+00> : vector<400xf32>
    %reduce_sum3A_317 = vector.multi_reduction <add>, %select_n3A_315, %reduce_sum3A_316 [1] : vector<400x400xf32> to vector<400xf32>
    %broadcast_in_dim3A_318 = vector.shape_cast %reduce_sum3A_317 : vector<400xf32> to vector<400x1xf32>
    %select_n3A_319 = arith.select %ge3A_300, %select_n3A_295, %broadcast_in_dim3A_308 : vector<400x1xi1>, vector<400x1xf32>
    %add3A_320 = arith.addf %select_n3A_297, %broadcast_in_dim3A_318 : vector<400x1xf32>
    %select_n3A_321 = arith.select %ge3A_300, %select_n3A_297, %add3A_320 : vector<400x1xi1>, vector<400x1xf32>
    %ge3A_322 = arith.constant 2.000000e+01 : f32
    %ge3A_323 = vector.broadcast %ge3A_322 : f32 to vector<400x1xf32>
    %ge3A_324 = arith.cmpf oge, %select_n3A_321, %ge3A_323 : vector<400x1xf32>
    %lt3A_325 = vector.broadcast %select_n3A_319 : vector<400x1xf32> to vector<400x400xf32>
    %lt3A_326 = arith.cmpf olt, %max3A_61, %lt3A_325 : vector<400x400xf32>
    %jit3A_327 = arith.constant -1.000000e+00 : f32
    %broadcast_in_dim3A_328 = vector.broadcast %jit3A_327 : f32 to vector<400x400xf32>
    %select_n3A_329 = arith.select %lt3A_326, %max3A_61, %broadcast_in_dim3A_328 : vector<400x400xi1>, vector<400x400xf32>
    %reduce_max3A_330 = arith.constant dense<0xFF800000> : vector<400xf32>
    %reduce_max3A_331 = vector.multi_reduction <maximumf>, %select_n3A_329, %reduce_max3A_330 [1] : vector<400x400xf32> to vector<400xf32>
    %broadcast_in_dim3A_332 = vector.shape_cast %reduce_max3A_331 : vector<400xf32> to vector<400x1xf32>
    %eq3A_333 = vector.broadcast %broadcast_in_dim3A_332 : vector<400x1xf32> to vector<400x400xf32>
    %eq3A_334 = arith.cmpf oeq, %max3A_61, %eq3A_333 : vector<400x400xf32>
    %jit3A_335 = arith.constant 1.000000e+00 : f32
    %jit3A_336 = arith.constant 0.000000e+00 : f32
    %broadcast_in_dim3A_337 = vector.broadcast %jit3A_335 : f32 to vector<400x400xf32>
    %broadcast_in_dim3A_338 = vector.broadcast %jit3A_336 : f32 to vector<400x400xf32>
    %select_n3A_339 = arith.select %eq3A_334, %broadcast_in_dim3A_337, %broadcast_in_dim3A_338 : vector<400x400xi1>, vector<400x400xf32>
    %reduce_sum3A_340 = arith.constant dense<0.000000e+00> : vector<400xf32>
    %reduce_sum3A_341 = vector.multi_reduction <add>, %select_n3A_339, %reduce_sum3A_340 [1] : vector<400x400xf32> to vector<400xf32>
    %broadcast_in_dim3A_342 = vector.shape_cast %reduce_sum3A_341 : vector<400xf32> to vector<400x1xf32>
    %select_n3A_343 = arith.select %ge3A_324, %select_n3A_319, %broadcast_in_dim3A_332 : vector<400x1xi1>, vector<400x1xf32>
    %add3A_344 = arith.addf %select_n3A_321, %broadcast_in_dim3A_342 : vector<400x1xf32>
    %select_n3A_345 = arith.select %ge3A_324, %select_n3A_321, %add3A_344 : vector<400x1xi1>, vector<400x1xf32>
    %ge3A_346 = arith.constant 2.000000e+01 : f32
    %ge3A_347 = vector.broadcast %ge3A_346 : f32 to vector<400x1xf32>
    %ge3A_348 = arith.cmpf oge, %select_n3A_345, %ge3A_347 : vector<400x1xf32>
    %lt3A_349 = vector.broadcast %select_n3A_343 : vector<400x1xf32> to vector<400x400xf32>
    %lt3A_350 = arith.cmpf olt, %max3A_61, %lt3A_349 : vector<400x400xf32>
    %jit3A_351 = arith.constant -1.000000e+00 : f32
    %broadcast_in_dim3A_352 = vector.broadcast %jit3A_351 : f32 to vector<400x400xf32>
    %select_n3A_353 = arith.select %lt3A_350, %max3A_61, %broadcast_in_dim3A_352 : vector<400x400xi1>, vector<400x400xf32>
    %reduce_max3A_354 = arith.constant dense<0xFF800000> : vector<400xf32>
    %reduce_max3A_355 = vector.multi_reduction <maximumf>, %select_n3A_353, %reduce_max3A_354 [1] : vector<400x400xf32> to vector<400xf32>
    %broadcast_in_dim3A_356 = vector.shape_cast %reduce_max3A_355 : vector<400xf32> to vector<400x1xf32>
    %eq3A_357 = vector.broadcast %broadcast_in_dim3A_356 : vector<400x1xf32> to vector<400x400xf32>
    %eq3A_358 = arith.cmpf oeq, %max3A_61, %eq3A_357 : vector<400x400xf32>
    %jit3A_359 = arith.constant 1.000000e+00 : f32
    %jit3A_360 = arith.constant 0.000000e+00 : f32
    %broadcast_in_dim3A_361 = vector.broadcast %jit3A_359 : f32 to vector<400x400xf32>
    %broadcast_in_dim3A_362 = vector.broadcast %jit3A_360 : f32 to vector<400x400xf32>
    %select_n3A_363 = arith.select %eq3A_358, %broadcast_in_dim3A_361, %broadcast_in_dim3A_362 : vector<400x400xi1>, vector<400x400xf32>
    %reduce_sum3A_364 = arith.constant dense<0.000000e+00> : vector<400xf32>
    %reduce_sum3A_365 = vector.multi_reduction <add>, %select_n3A_363, %reduce_sum3A_364 [1] : vector<400x400xf32> to vector<400xf32>
    %broadcast_in_dim3A_366 = vector.shape_cast %reduce_sum3A_365 : vector<400xf32> to vector<400x1xf32>
    %select_n3A_367 = arith.select %ge3A_348, %select_n3A_343, %broadcast_in_dim3A_356 : vector<400x1xi1>, vector<400x1xf32>
    %add3A_368 = arith.addf %select_n3A_345, %broadcast_in_dim3A_366 : vector<400x1xf32>
    %select_n3A_369 = arith.select %ge3A_348, %select_n3A_345, %add3A_368 : vector<400x1xi1>, vector<400x1xf32>
    %ge3A_370 = arith.constant 2.000000e+01 : f32
    %ge3A_371 = vector.broadcast %ge3A_370 : f32 to vector<400x1xf32>
    %ge3A_372 = arith.cmpf oge, %select_n3A_369, %ge3A_371 : vector<400x1xf32>
    %lt3A_373 = vector.broadcast %select_n3A_367 : vector<400x1xf32> to vector<400x400xf32>
    %lt3A_374 = arith.cmpf olt, %max3A_61, %lt3A_373 : vector<400x400xf32>
    %jit3A_375 = arith.constant -1.000000e+00 : f32
    %broadcast_in_dim3A_376 = vector.broadcast %jit3A_375 : f32 to vector<400x400xf32>
    %select_n3A_377 = arith.select %lt3A_374, %max3A_61, %broadcast_in_dim3A_376 : vector<400x400xi1>, vector<400x400xf32>
    %reduce_max3A_378 = arith.constant dense<0xFF800000> : vector<400xf32>
    %reduce_max3A_379 = vector.multi_reduction <maximumf>, %select_n3A_377, %reduce_max3A_378 [1] : vector<400x400xf32> to vector<400xf32>
    %broadcast_in_dim3A_380 = vector.shape_cast %reduce_max3A_379 : vector<400xf32> to vector<400x1xf32>
    %eq3A_381 = vector.broadcast %broadcast_in_dim3A_380 : vector<400x1xf32> to vector<400x400xf32>
    %eq3A_382 = arith.cmpf oeq, %max3A_61, %eq3A_381 : vector<400x400xf32>
    %jit3A_383 = arith.constant 1.000000e+00 : f32
    %jit3A_384 = arith.constant 0.000000e+00 : f32
    %broadcast_in_dim3A_385 = vector.broadcast %jit3A_383 : f32 to vector<400x400xf32>
    %broadcast_in_dim3A_386 = vector.broadcast %jit3A_384 : f32 to vector<400x400xf32>
    %select_n3A_387 = arith.select %eq3A_382, %broadcast_in_dim3A_385, %broadcast_in_dim3A_386 : vector<400x400xi1>, vector<400x400xf32>
    %reduce_sum3A_388 = arith.constant dense<0.000000e+00> : vector<400xf32>
    %reduce_sum3A_389 = vector.multi_reduction <add>, %select_n3A_387, %reduce_sum3A_388 [1] : vector<400x400xf32> to vector<400xf32>
    %broadcast_in_dim3A_390 = vector.shape_cast %reduce_sum3A_389 : vector<400xf32> to vector<400x1xf32>
    %select_n3A_391 = arith.select %ge3A_372, %select_n3A_367, %broadcast_in_dim3A_380 : vector<400x1xi1>, vector<400x1xf32>
    %add3A_392 = arith.addf %select_n3A_369, %broadcast_in_dim3A_390 : vector<400x1xf32>
    %select_n3A_393 = arith.select %ge3A_372, %select_n3A_369, %add3A_392 : vector<400x1xi1>, vector<400x1xf32>
    %ge3A_394 = arith.constant 2.000000e+01 : f32
    %ge3A_395 = vector.broadcast %ge3A_394 : f32 to vector<400x1xf32>
    %ge3A_396 = arith.cmpf oge, %select_n3A_393, %ge3A_395 : vector<400x1xf32>
    %lt3A_397 = vector.broadcast %select_n3A_391 : vector<400x1xf32> to vector<400x400xf32>
    %lt3A_398 = arith.cmpf olt, %max3A_61, %lt3A_397 : vector<400x400xf32>
    %jit3A_399 = arith.constant -1.000000e+00 : f32
    %broadcast_in_dim3A_400 = vector.broadcast %jit3A_399 : f32 to vector<400x400xf32>
    %select_n3A_401 = arith.select %lt3A_398, %max3A_61, %broadcast_in_dim3A_400 : vector<400x400xi1>, vector<400x400xf32>
    %reduce_max3A_402 = arith.constant dense<0xFF800000> : vector<400xf32>
    %reduce_max3A_403 = vector.multi_reduction <maximumf>, %select_n3A_401, %reduce_max3A_402 [1] : vector<400x400xf32> to vector<400xf32>
    %broadcast_in_dim3A_404 = vector.shape_cast %reduce_max3A_403 : vector<400xf32> to vector<400x1xf32>
    %eq3A_405 = vector.broadcast %broadcast_in_dim3A_404 : vector<400x1xf32> to vector<400x400xf32>
    %eq3A_406 = arith.cmpf oeq, %max3A_61, %eq3A_405 : vector<400x400xf32>
    %jit3A_407 = arith.constant 1.000000e+00 : f32
    %jit3A_408 = arith.constant 0.000000e+00 : f32
    %broadcast_in_dim3A_409 = vector.broadcast %jit3A_407 : f32 to vector<400x400xf32>
    %broadcast_in_dim3A_410 = vector.broadcast %jit3A_408 : f32 to vector<400x400xf32>
    %select_n3A_411 = arith.select %eq3A_406, %broadcast_in_dim3A_409, %broadcast_in_dim3A_410 : vector<400x400xi1>, vector<400x400xf32>
    %reduce_sum3A_412 = arith.constant dense<0.000000e+00> : vector<400xf32>
    %reduce_sum3A_413 = vector.multi_reduction <add>, %select_n3A_411, %reduce_sum3A_412 [1] : vector<400x400xf32> to vector<400xf32>
    %broadcast_in_dim3A_414 = vector.shape_cast %reduce_sum3A_413 : vector<400xf32> to vector<400x1xf32>
    %select_n3A_415 = arith.select %ge3A_396, %select_n3A_391, %broadcast_in_dim3A_404 : vector<400x1xi1>, vector<400x1xf32>
    %add3A_416 = arith.addf %select_n3A_393, %broadcast_in_dim3A_414 : vector<400x1xf32>
    %select_n3A_417 = arith.select %ge3A_396, %select_n3A_393, %add3A_416 : vector<400x1xi1>, vector<400x1xf32>
    %ge3A_418 = arith.constant 2.000000e+01 : f32
    %ge3A_419 = vector.broadcast %ge3A_418 : f32 to vector<400x1xf32>
    %ge3A_420 = arith.cmpf oge, %select_n3A_417, %ge3A_419 : vector<400x1xf32>
    %lt3A_421 = vector.broadcast %select_n3A_415 : vector<400x1xf32> to vector<400x400xf32>
    %lt3A_422 = arith.cmpf olt, %max3A_61, %lt3A_421 : vector<400x400xf32>
    %jit3A_423 = arith.constant -1.000000e+00 : f32
    %broadcast_in_dim3A_424 = vector.broadcast %jit3A_423 : f32 to vector<400x400xf32>
    %select_n3A_425 = arith.select %lt3A_422, %max3A_61, %broadcast_in_dim3A_424 : vector<400x400xi1>, vector<400x400xf32>
    %reduce_max3A_426 = arith.constant dense<0xFF800000> : vector<400xf32>
    %reduce_max3A_427 = vector.multi_reduction <maximumf>, %select_n3A_425, %reduce_max3A_426 [1] : vector<400x400xf32> to vector<400xf32>
    %broadcast_in_dim3A_428 = vector.shape_cast %reduce_max3A_427 : vector<400xf32> to vector<400x1xf32>
    %eq3A_429 = vector.broadcast %broadcast_in_dim3A_428 : vector<400x1xf32> to vector<400x400xf32>
    %eq3A_430 = arith.cmpf oeq, %max3A_61, %eq3A_429 : vector<400x400xf32>
    %jit3A_431 = arith.constant 1.000000e+00 : f32
    %jit3A_432 = arith.constant 0.000000e+00 : f32
    %broadcast_in_dim3A_433 = vector.broadcast %jit3A_431 : f32 to vector<400x400xf32>
    %broadcast_in_dim3A_434 = vector.broadcast %jit3A_432 : f32 to vector<400x400xf32>
    %select_n3A_435 = arith.select %eq3A_430, %broadcast_in_dim3A_433, %broadcast_in_dim3A_434 : vector<400x400xi1>, vector<400x400xf32>
    %reduce_sum3A_436 = arith.constant dense<0.000000e+00> : vector<400xf32>
    %reduce_sum3A_437 = vector.multi_reduction <add>, %select_n3A_435, %reduce_sum3A_436 [1] : vector<400x400xf32> to vector<400xf32>
    %broadcast_in_dim3A_438 = vector.shape_cast %reduce_sum3A_437 : vector<400xf32> to vector<400x1xf32>
    %select_n3A_439 = arith.select %ge3A_420, %select_n3A_415, %broadcast_in_dim3A_428 : vector<400x1xi1>, vector<400x1xf32>
    %add3A_440 = arith.addf %select_n3A_417, %broadcast_in_dim3A_438 : vector<400x1xf32>
    %select_n3A_441 = arith.select %ge3A_420, %select_n3A_417, %add3A_440 : vector<400x1xi1>, vector<400x1xf32>
    %ge3A_442 = arith.constant 2.000000e+01 : f32
    %ge3A_443 = vector.broadcast %ge3A_442 : f32 to vector<400x1xf32>
    %ge3A_444 = arith.cmpf oge, %select_n3A_441, %ge3A_443 : vector<400x1xf32>
    %lt3A_445 = vector.broadcast %select_n3A_439 : vector<400x1xf32> to vector<400x400xf32>
    %lt3A_446 = arith.cmpf olt, %max3A_61, %lt3A_445 : vector<400x400xf32>
    %jit3A_447 = arith.constant -1.000000e+00 : f32
    %broadcast_in_dim3A_448 = vector.broadcast %jit3A_447 : f32 to vector<400x400xf32>
    %select_n3A_449 = arith.select %lt3A_446, %max3A_61, %broadcast_in_dim3A_448 : vector<400x400xi1>, vector<400x400xf32>
    %reduce_max3A_450 = arith.constant dense<0xFF800000> : vector<400xf32>
    %reduce_max3A_451 = vector.multi_reduction <maximumf>, %select_n3A_449, %reduce_max3A_450 [1] : vector<400x400xf32> to vector<400xf32>
    %broadcast_in_dim3A_452 = vector.shape_cast %reduce_max3A_451 : vector<400xf32> to vector<400x1xf32>
    %eq3A_453 = vector.broadcast %broadcast_in_dim3A_452 : vector<400x1xf32> to vector<400x400xf32>
    %eq3A_454 = arith.cmpf oeq, %max3A_61, %eq3A_453 : vector<400x400xf32>
    %jit3A_455 = arith.constant 1.000000e+00 : f32
    %jit3A_456 = arith.constant 0.000000e+00 : f32
    %broadcast_in_dim3A_457 = vector.broadcast %jit3A_455 : f32 to vector<400x400xf32>
    %broadcast_in_dim3A_458 = vector.broadcast %jit3A_456 : f32 to vector<400x400xf32>
    %select_n3A_459 = arith.select %eq3A_454, %broadcast_in_dim3A_457, %broadcast_in_dim3A_458 : vector<400x400xi1>, vector<400x400xf32>
    %reduce_sum3A_460 = arith.constant dense<0.000000e+00> : vector<400xf32>
    %reduce_sum3A_461 = vector.multi_reduction <add>, %select_n3A_459, %reduce_sum3A_460 [1] : vector<400x400xf32> to vector<400xf32>
    %broadcast_in_dim3A_462 = vector.shape_cast %reduce_sum3A_461 : vector<400xf32> to vector<400x1xf32>
    %select_n3A_463 = arith.select %ge3A_444, %select_n3A_439, %broadcast_in_dim3A_452 : vector<400x1xi1>, vector<400x1xf32>
    %add3A_464 = arith.addf %select_n3A_441, %broadcast_in_dim3A_462 : vector<400x1xf32>
    %select_n3A_465 = arith.select %ge3A_444, %select_n3A_441, %add3A_464 : vector<400x1xi1>, vector<400x1xf32>
    %ge3A_466 = arith.constant 2.000000e+01 : f32
    %ge3A_467 = vector.broadcast %ge3A_466 : f32 to vector<400x1xf32>
    %ge3A_468 = arith.cmpf oge, %select_n3A_465, %ge3A_467 : vector<400x1xf32>
    %lt3A_469 = vector.broadcast %select_n3A_463 : vector<400x1xf32> to vector<400x400xf32>
    %lt3A_470 = arith.cmpf olt, %max3A_61, %lt3A_469 : vector<400x400xf32>
    %jit3A_471 = arith.constant -1.000000e+00 : f32
    %broadcast_in_dim3A_472 = vector.broadcast %jit3A_471 : f32 to vector<400x400xf32>
    %select_n3A_473 = arith.select %lt3A_470, %max3A_61, %broadcast_in_dim3A_472 : vector<400x400xi1>, vector<400x400xf32>
    %reduce_max3A_474 = arith.constant dense<0xFF800000> : vector<400xf32>
    %reduce_max3A_475 = vector.multi_reduction <maximumf>, %select_n3A_473, %reduce_max3A_474 [1] : vector<400x400xf32> to vector<400xf32>
    %broadcast_in_dim3A_476 = vector.shape_cast %reduce_max3A_475 : vector<400xf32> to vector<400x1xf32>
    %eq3A_477 = vector.broadcast %broadcast_in_dim3A_476 : vector<400x1xf32> to vector<400x400xf32>
    %eq3A_478 = arith.cmpf oeq, %max3A_61, %eq3A_477 : vector<400x400xf32>
    %jit3A_479 = arith.constant 1.000000e+00 : f32
    %jit3A_480 = arith.constant 0.000000e+00 : f32
    %broadcast_in_dim3A_481 = vector.broadcast %jit3A_479 : f32 to vector<400x400xf32>
    %broadcast_in_dim3A_482 = vector.broadcast %jit3A_480 : f32 to vector<400x400xf32>
    %select_n3A_483 = arith.select %eq3A_478, %broadcast_in_dim3A_481, %broadcast_in_dim3A_482 : vector<400x400xi1>, vector<400x400xf32>
    %reduce_sum3A_484 = arith.constant dense<0.000000e+00> : vector<400xf32>
    %reduce_sum3A_485 = vector.multi_reduction <add>, %select_n3A_483, %reduce_sum3A_484 [1] : vector<400x400xf32> to vector<400xf32>
    %broadcast_in_dim3A_486 = vector.shape_cast %reduce_sum3A_485 : vector<400xf32> to vector<400x1xf32>
    %select_n3A_487 = arith.select %ge3A_468, %select_n3A_463, %broadcast_in_dim3A_476 : vector<400x1xi1>, vector<400x1xf32>
    %add3A_488 = arith.addf %select_n3A_465, %broadcast_in_dim3A_486 : vector<400x1xf32>
    %select_n3A_489 = arith.select %ge3A_468, %select_n3A_465, %add3A_488 : vector<400x1xi1>, vector<400x1xf32>
    %ge3A_490 = arith.constant 2.000000e+01 : f32
    %ge3A_491 = vector.broadcast %ge3A_490 : f32 to vector<400x1xf32>
    %ge3A_492 = arith.cmpf oge, %select_n3A_489, %ge3A_491 : vector<400x1xf32>
    %lt3A_493 = vector.broadcast %select_n3A_487 : vector<400x1xf32> to vector<400x400xf32>
    %lt3A_494 = arith.cmpf olt, %max3A_61, %lt3A_493 : vector<400x400xf32>
    %jit3A_495 = arith.constant -1.000000e+00 : f32
    %broadcast_in_dim3A_496 = vector.broadcast %jit3A_495 : f32 to vector<400x400xf32>
    %select_n3A_497 = arith.select %lt3A_494, %max3A_61, %broadcast_in_dim3A_496 : vector<400x400xi1>, vector<400x400xf32>
    %reduce_max3A_498 = arith.constant dense<0xFF800000> : vector<400xf32>
    %reduce_max3A_499 = vector.multi_reduction <maximumf>, %select_n3A_497, %reduce_max3A_498 [1] : vector<400x400xf32> to vector<400xf32>
    %broadcast_in_dim3A_500 = vector.shape_cast %reduce_max3A_499 : vector<400xf32> to vector<400x1xf32>
    %eq3A_501 = vector.broadcast %broadcast_in_dim3A_500 : vector<400x1xf32> to vector<400x400xf32>
    %eq3A_502 = arith.cmpf oeq, %max3A_61, %eq3A_501 : vector<400x400xf32>
    %jit3A_503 = arith.constant 1.000000e+00 : f32
    %jit3A_504 = arith.constant 0.000000e+00 : f32
    %broadcast_in_dim3A_505 = vector.broadcast %jit3A_503 : f32 to vector<400x400xf32>
    %broadcast_in_dim3A_506 = vector.broadcast %jit3A_504 : f32 to vector<400x400xf32>
    %select_n3A_507 = arith.select %eq3A_502, %broadcast_in_dim3A_505, %broadcast_in_dim3A_506 : vector<400x400xi1>, vector<400x400xf32>
    %reduce_sum3A_508 = arith.constant dense<0.000000e+00> : vector<400xf32>
    %reduce_sum3A_509 = vector.multi_reduction <add>, %select_n3A_507, %reduce_sum3A_508 [1] : vector<400x400xf32> to vector<400xf32>
    %broadcast_in_dim3A_510 = vector.shape_cast %reduce_sum3A_509 : vector<400xf32> to vector<400x1xf32>
    %select_n3A_511 = arith.select %ge3A_492, %select_n3A_487, %broadcast_in_dim3A_500 : vector<400x1xi1>, vector<400x1xf32>
    %add3A_512 = arith.addf %select_n3A_489, %broadcast_in_dim3A_510 : vector<400x1xf32>
    %select_n3A_513 = arith.select %ge3A_492, %select_n3A_489, %add3A_512 : vector<400x1xi1>, vector<400x1xf32>
    %ge3A_514 = arith.constant 2.000000e+01 : f32
    %ge3A_515 = vector.broadcast %ge3A_514 : f32 to vector<400x1xf32>
    %ge3A_516 = arith.cmpf oge, %select_n3A_513, %ge3A_515 : vector<400x1xf32>
    %lt3A_517 = vector.broadcast %select_n3A_511 : vector<400x1xf32> to vector<400x400xf32>
    %lt3A_518 = arith.cmpf olt, %max3A_61, %lt3A_517 : vector<400x400xf32>
    %jit3A_519 = arith.constant -1.000000e+00 : f32
    %broadcast_in_dim3A_520 = vector.broadcast %jit3A_519 : f32 to vector<400x400xf32>
    %select_n3A_521 = arith.select %lt3A_518, %max3A_61, %broadcast_in_dim3A_520 : vector<400x400xi1>, vector<400x400xf32>
    %reduce_max3A_522 = arith.constant dense<0xFF800000> : vector<400xf32>
    %reduce_max3A_523 = vector.multi_reduction <maximumf>, %select_n3A_521, %reduce_max3A_522 [1] : vector<400x400xf32> to vector<400xf32>
    %broadcast_in_dim3A_524 = vector.shape_cast %reduce_max3A_523 : vector<400xf32> to vector<400x1xf32>
    %select_n3A_525 = arith.select %ge3A_516, %select_n3A_511, %broadcast_in_dim3A_524 : vector<400x1xi1>, vector<400x1xf32>
    %gt3A = vector.broadcast %select_n3A_525 : vector<400x1xf32> to vector<400x400xf32>
    %gt3A_526 = arith.cmpf ogt, %max3A_61, %gt3A : vector<400x400xf32>
    %jit3A_527 = arith.constant 1.000000e+00 : f32
    %jit3A_528 = arith.constant 0.000000e+00 : f32
    %broadcast_in_dim3A_529 = vector.broadcast %jit3A_527 : f32 to vector<400x400xf32>
    %broadcast_in_dim3A_530 = vector.broadcast %jit3A_528 : f32 to vector<400x400xf32>
    %select_n3A_531 = arith.select %gt3A_526, %broadcast_in_dim3A_529, %broadcast_in_dim3A_530 : vector<400x400xi1>, vector<400x400xf32>
    %reduce_sum3A_532 = arith.constant dense<0.000000e+00> : vector<400xf32>
    %reduce_sum3A_533 = vector.multi_reduction <add>, %select_n3A_531, %reduce_sum3A_532 [1] : vector<400x400xf32> to vector<400xf32>
    %broadcast_in_dim3A_534 = vector.shape_cast %reduce_sum3A_533 : vector<400xf32> to vector<400x1xf32>
    %eq3A_535 = vector.broadcast %select_n3A_525 : vector<400x1xf32> to vector<400x400xf32>
    %eq3A_536 = arith.cmpf oeq, %max3A_61, %eq3A_535 : vector<400x400xf32>
    %jit3A_537 = arith.constant 1.000000e+00 : f32
    %jit3A_538 = arith.constant 0.000000e+00 : f32
    %broadcast_in_dim3A_539 = vector.broadcast %jit3A_537 : f32 to vector<400x400xf32>
    %broadcast_in_dim3A_540 = vector.broadcast %jit3A_538 : f32 to vector<400x400xf32>
    %select_n3A_541 = arith.select %eq3A_536, %broadcast_in_dim3A_539, %broadcast_in_dim3A_540 : vector<400x400xi1>, vector<400x400xf32>
    %iota3A = tpu.iota {dimensions = array<i32: 0>} : vector<400x400xi32>
    %iota3A_542 = tpu.iota {dimensions = array<i32: 1>} : vector<400x400xi32>
    %lt3A_543 = arith.cmpi slt, %iota3A, %iota3A_542 : vector<400x400xi32>
    %jit3A_544 = arith.constant 1.000000e+00 : f32
    %jit3A_545 = arith.constant 0.000000e+00 : f32
    %broadcast_in_dim3A_546 = vector.broadcast %jit3A_544 : f32 to vector<400x400xf32>
    %broadcast_in_dim3A_547 = vector.broadcast %jit3A_545 : f32 to vector<400x400xf32>
    %select_n3A_548 = arith.select %lt3A_543, %broadcast_in_dim3A_546, %broadcast_in_dim3A_547 : vector<400x400xi1>, vector<400x400xf32>
    %dot_general3A_549 = arith.constant dense<0.000000e+00> : vector<400x400xf32>
    %dot_general3A_550 = tpu.matmul %select_n3A_541, %select_n3A_548, %dot_general3A_549 {dimension_numbers = #tpu.dot_dimension_numbers<[1], [0], [0], [1], [0, 0, 1, 1], [], []>, transpose_lhs_hint = false} : vector<400x400xf32>, vector<400x400xf32>, vector<400x400xf32> -> vector<400x400xf32>
    %sub3A_551 = arith.constant 2.000000e+01 : f32
    %sub3A_552 = vector.broadcast %sub3A_551 : f32 to vector<400x1xf32>
    %sub3A_553 = arith.subf %sub3A_552, %broadcast_in_dim3A_534 : vector<400x1xf32>
    %lt3A_554 = vector.broadcast %sub3A_553 : vector<400x1xf32> to vector<400x400xf32>
    %lt3A_555 = arith.cmpf olt, %dot_general3A_550, %lt3A_554 : vector<400x400xf32>
    %and3A = arith.andi %eq3A_536, %lt3A_555 : vector<400x400xi1>
    %or3A = arith.ori %gt3A_526, %and3A : vector<400x400xi1>
    %jit3A_556 = arith.constant 0.000000e+00 : f32
    %broadcast_in_dim3A_557 = vector.broadcast %jit3A_556 : f32 to vector<400x400xf32>
    %select_n3A_558 = arith.select %or3A, %max3A_61, %broadcast_in_dim3A_557 : vector<400x400xi1>, vector<400x400xf32>
    %eq3A_559 = arith.cmpi eq, %iota3A, %iota3A_542 : vector<400x400xi32>
    %jit3A_560 = arith.constant 1.000000e+00 : f32
    %jit3A_561 = arith.constant 0.000000e+00 : f32
    %broadcast_in_dim3A_562 = vector.broadcast %jit3A_560 : f32 to vector<400x400xf32>
    %broadcast_in_dim3A_563 = vector.broadcast %jit3A_561 : f32 to vector<400x400xf32>
    %select_n3A_564 = arith.select %eq3A_559, %broadcast_in_dim3A_562, %broadcast_in_dim3A_563 : vector<400x400xi1>, vector<400x400xf32>
    %add3A_565 = arith.addf %select_n3A_558, %select_n3A_564 : vector<400x400xf32>
    %reduce_sum3A_566 = arith.constant dense<0.000000e+00> : vector<400xf32>
    %reduce_sum3A_567 = vector.multi_reduction <add>, %add3A_565, %reduce_sum3A_566 [1] : vector<400x400xf32> to vector<400xf32>
    %broadcast_in_dim3A_568 = vector.shape_cast %reduce_sum3A_567 : vector<400xf32> to vector<400x1xf32>
    %div3A = vector.broadcast %broadcast_in_dim3A_568 : vector<400x1xf32> to vector<400x400xf32>
    %div3A_569 = arith.divf %add3A_565, %div3A : vector<400x400xf32>
    %swap3A = arith.constant 0 : index
    %swap3A_570 = arith.constant 0 : index
    %swap3A_571 = arith.constant 0 : index
    %swap3A_572 = arith.constant 0 : index
    %swap3A_573 = vector.load %arg11[%swap3A, %swap3A_570, %swap3A_571, %swap3A_572] : memref<1x1x400x400xf32, #tpu.memory_space<vmem>>, vector<1x1x400x400xf32>
    %swap3A_574 = vector.shape_cast %swap3A_573 : vector<1x1x400x400xf32> to vector<400x400xf32>
    %swap3A_575 = vector.shape_cast %div3A_569 : vector<400x400xf32> to vector<1x1x400x400xf32>
    tpu.vector_store %arg11[%swap3A, %swap3A_570, %swap3A_571, %swap3A_572], %swap3A_575 {strides = array<i32>} : memref<1x1x400x400xf32, #tpu.memory_space<vmem>>, vector<1x1x400x400xf32>,
    %reduce_sum3A_576 = arith.constant dense<0.000000e+00> : vector<400xf32>
    %reduce_sum3A_577 = vector.multi_reduction <add>, %div3A_569, %reduce_sum3A_576 [0] : vector<400x400xf32> to vector<400xf32>
    %broadcast_in_dim3A_578 = vector.shape_cast %reduce_sum3A_577 : vector<400xf32> to vector<1x400xf32>
    %add3A_579 = arith.addf %div3A_569, %select_n3A_564 : vector<400x400xf32>
    %add3A_580 = arith.constant 1.000000e+00 : f32
    %add3A_581 = vector.broadcast %add3A_580 : f32 to vector<1x400xf32>
    %add3A_582 = arith.addf %broadcast_in_dim3A_578, %add3A_581 : vector<1x400xf32>
    %div3A_583 = vector.broadcast %add3A_582 : vector<1x400xf32> to vector<400x400xf32>
    %div3A_584 = arith.divf %add3A_579, %div3A_583 : vector<400x400xf32>
    %swap3A_585 = arith.constant 0 : index
    %swap3A_586 = arith.constant 0 : index
    %swap3A_587 = arith.constant 0 : index
    %swap3A_588 = arith.constant 0 : index
    %swap3A_589 = vector.load %arg12[%swap3A_585, %swap3A_586, %swap3A_587, %swap3A_588] : memref<1x1x400x400xf32, #tpu.memory_space<vmem>>, vector<1x1x400x400xf32>
    %swap3A_590 = vector.shape_cast %swap3A_589 : vector<1x1x400x400xf32> to vector<400x400xf32>
    %swap3A_591 = vector.shape_cast %div3A_584 : vector<400x400xf32> to vector<1x1x400x400xf32>
    tpu.vector_store %arg12[%swap3A_585, %swap3A_586, %swap3A_587, %swap3A_588], %swap3A_591 {strides = array<i32>} : memref<1x1x400x400xf32, #tpu.memory_space<vmem>>, vector<1x1x400x400xf32>,
    return
  }
  func.func @transform_0(%arg0: i32, %arg1: i32) -> (i32, i32, i32, i32) {
    %c0_i32 = arith.constant 0 : i32
    %c0_i32_0 = arith.constant 0 : i32
    %c0_i32_1 = arith.constant 0 : i32
    return %arg0, %arg1, %c0_i32, %c0_i32_0 : i32, i32, i32, i32
  }
  func.func @transform_1(%arg0: i32, %arg1: i32) -> (i32, i32) {
    %c0_i32 = arith.constant 0 : i32
    %c0_i32_0 = arith.constant 0 : i32
    %c0_i32_1 = arith.constant 0 : i32
    return %c0_i32, %c0_i32_0 : i32, i32
  }
  func.func @transform_2(%arg0: i32, %arg1: i32) -> (i32, i32) {
    %c0_i32 = arith.constant 0 : i32
    %c0_i32_0 = arith.constant 0 : i32
    %c0_i32_1 = arith.constant 0 : i32
    return %c0_i32, %c0_i32_0 : i32, i32
  }
  func.func @transform_3(%arg0: i32, %arg1: i32) -> (i32, i32) {
    %c0_i32 = arith.constant 0 : i32
    %c0_i32_0 = arith.constant 0 : i32
    %c0_i32_1 = arith.constant 0 : i32
    return %c0_i32, %c0_i32_0 : i32, i32
  }
  func.func @transform_4(%arg0: i32, %arg1: i32) -> (i32, i32) {
    %c0_i32 = arith.constant 0 : i32
    %c0_i32_0 = arith.constant 0 : i32
    %c0_i32_1 = arith.constant 0 : i32
    return %c0_i32, %c0_i32_0 : i32, i32
  }
  func.func @transform_5(%arg0: i32, %arg1: i32) -> (i32, i32) {
    %c0_i32 = arith.constant 0 : i32
    %c0_i32_0 = arith.constant 0 : i32
    %c0_i32_1 = arith.constant 0 : i32
    return %c0_i32, %c0_i32_0 : i32, i32
  }
  func.func @transform_6(%arg0: i32, %arg1: i32) -> (i32, i32) {
    %c0_i32 = arith.constant 0 : i32
    %c0_i32_0 = arith.constant 0 : i32
    %c0_i32_1 = arith.constant 0 : i32
    return %c0_i32, %c0_i32_0 : i32, i32
  }
  func.func @transform_7(%arg0: i32, %arg1: i32) -> (i32, i32) {
    %c0_i32 = arith.constant 0 : i32
    %c0_i32_0 = arith.constant 0 : i32
    %c0_i32_1 = arith.constant 0 : i32
    return %c0_i32, %c0_i32_0 : i32, i32
  }
  func.func @transform_8(%arg0: i32, %arg1: i32) -> (i32, i32) {
    %c0_i32 = arith.constant 0 : i32
    %c0_i32_0 = arith.constant 0 : i32
    %c0_i32_1 = arith.constant 0 : i32
    return %c0_i32, %c0_i32_0 : i32, i32
  }
  func.func @transform_9(%arg0: i32, %arg1: i32) -> (i32, i32, i32, i32) {
    %c0_i32 = arith.constant 0 : i32
    %c0_i32_0 = arith.constant 0 : i32
    %c0_i32_1 = arith.constant 0 : i32
    return %arg0, %arg1, %c0_i32, %c0_i32_0 : i32, i32, i32, i32
  }
  func.func @transform_10(%arg0: i32, %arg1: i32) -> (i32, i32, i32, i32) {
    %c0_i32 = arith.constant 0 : i32
    %c0_i32_0 = arith.constant 0 : i32
    %c0_i32_1 = arith.constant 0 : i32
    return %arg0, %arg1, %c0_i32, %c0_i32_0 : i32, i32, i32, i32
  }
}

</mosaic_0001>

<sc_bundles>
// kernel: sparse-core-data-format-call.cloned.1.call-start
scs
called_computation_lowered:
.L_overlay_start_0:
0x0: {  	s2 =	sld [smem:$0x3FD9]  }
0x1: {  	s3 =	sld [smem:$0x3FFE];
	_ =	sdelay $0x1  }
0x2: {  	s1 =	srdreg.scid  }
0x3: {  	s0 =	sand.u32 $0x1, s1  }
0x4: {  	s15 =	sshll.u32 s0, $0xA;
	s2 =	sadd.s32 s3, s2  }
0x5: {  	s2 =	sadd.s32 s2, s15  }
0x6: {  	[smem:$0x3FBC] =	sst s2  }
0x7: {  	_ = 	snop  }
0x8: {  	s2 =	sld [smem:$0x3FD0];
	_ =	sdelay $0x2  }
0x9: {  	s16 =	simm.s32 $0xA;
	s4 =	simm.s32 $0x10  }
0xa: {  	[smem:s4], [sflag:s16] =	dma.local [hbm:s2], $0x1  }
0xb: {  	_ =	swait.eq [sflag:s16], $0x1  }
0xc: {  	[sflag:s16] =	ssyncset.done $0x0  }
0xd: {  	[sflag:s16] =	ssyncadd.s32 $0xFFFFFFFF  }
0xe: {  	s17 =	sld [smem:$0x11];
	(tm) =	ssettm $0x1  }
0xf: {  	s18 =	sld [smem:$0x3FFB];
	_ =	sdelay $0x3  }
0x10: {  	_ =	strace s18  }
0x11: {  	s3 =	sld [smem:$0x3FFC];
	_ =	sdelay $0x3  }
0x12: {  	_ =	strace s3  }
0x13: {  	s3 =	sld [smem:$0x3FFD];
	_ =	sdelay $0x3  }
0x14: {  	_ =	strace s3  }
0x15: {  	_ =	strace $0x8FFFFFFF  }
0x16: {  	s19 =	sld [smem:$0x3FDB];
	_ =	sdelay $0x1  }
0x17: {  	s20 =	simm.s32 $_scs_section_size  }
0x18: {  	s5 =	simm.s32 $_size__tile_overlayer_lowered;
	s6 =	simm.s32 $_tile_overlayer_lowered  }
0x19: {  	s23 =	simm.s32 $0x1BFF;
	s22 =	sshll.u32 s6, $0x1;
	s3 =	sadd.s32 s20, s19  }
0x1a: {  	s7 =	simm.s32 $0x0;
	s21 =	sshll.u32 s5, $0x1;
	s5 =	sadd.s32 s22, s3  }
0x1b: {  	[timem:s7], [sflag:s23] =	dma.local [hbm:s5], s21  }
0x1c: {  	_ =	swait.ge [sflag:s23], s21  }
0x1d: {  	s4 =	ssub.s32 $0x0, s21;
	[sflag:s23] =	ssyncset.done $0x0  }
0x1e: {  	[sflag:s23] =	ssyncadd.s32 s4;
	_ =	sdelay $0x1  }
0x1f: {  	s24 =	simm.s32 $0x1B8B  }
0x20: {  	_ =	swait.ge [sflag:s24], $0x1  }
0x21: {  	[sflag:s24] =	ssyncset.done $0x0  }
0x22: {  	s26 =	simm.s32 $0x1B8E;
	s25 =	sld [smem:$0x3FFE];
	[sflag:s24] =	ssyncadd.s32 $0xFFFFFFFF  }
0x23: {  	s27 =	simm.s32 $execute0_lowered;
	[smem:$0x3FD2] =	sst s26  }
0x24: {  	s5 =	sshll.u32 s27, $0x1;
	_ =	strace $0x80000046;
	[dreg:$0x1] =	wrdreg $0xFFFFFFFF  }
0x25: {  	s28 =	simm.s32 $_size_execute0_lowered;
	s3 =	sadd.s32 s3, s5;
	[dreg:$0x0] =	wrdreg $0x0  }
0x26: {  	s5 =	sshll.u32 s28, $0x1;
	[dreg:$0x2] =	wrdreg s3  }
0x27: {  	[dreg:$0x3] =	wrdreg s5  }
0x28: {  	[dreg:$0x4] =	wrdreg $0xC0  }
0x29: {  	_ =	task [dreg:s7], $0x5FFFF  }
0x2a: {  	[dreg:$0x1] =	wrdreg $0xFFFFFFFF  }
0x2b: {  	[dreg:$0x0] =	wrdreg $0x60  }
0x2c: {  	[dreg:$0x2] =	wrdreg s25  }
0x2d: {  	[dreg:$0x3] =	wrdreg s17  }
0x2e: {  	[dreg:$0x4] =	wrdreg $0x9  }
0x2f: {  	_ =	task.clear_ibuf [dreg:s7], $0x5FFFF;
	_ =	strace $0x90000046  }
0x30: {  	s29 =	simm.s32 $0x9;
	_ =	strace $0x80000048  }
0x31: {  	_ =	swait.ge [sflag:s29], $0x1  }
0x32: {  	[sflag:s29] =	ssyncadd.s32 $0xFFFFFFFF  }
0x33: {  	_ =	strace $0x90000048  }
0x34: {  	_ =	sfence  }
0x35: {  	s30 =	sld [smem:$0x0];
	_ =	sdelay $0x2  }
0x36: {  	s31 =	sshll.u32 s1, $0xD;
	s1 =	sshrl.u32 s1, $0x2  }
0x37: {  	s3 =	sand.u32 $0x4000, s31;
	s1 =	sadd.s32 s1, s30  }
0x38: {  	s0 =	sor.u32 s3, s0;
	s1 =	sshll.u32 s1, $0x11  }
0x39: {  	s0 =	sor.u32 s1, s0  }
0x3a: {  	s0 =	sadd.s32 $0x8F2B, s0  }
0x3b: {  	[sflag:s0] =	ssyncadd.remote.s32 $0x1  }
0x3c: {  	_ =	sfence.sel $0xFFFF  }
0x3d: {  	[dreg:$0x0] =	wrdreg $0xFFFFFFFF;
	(pc) =	sbr.abs _section_cstart, $3  }
0x3e: {  	[dreg:$0x1] =	wrdreg $0xFFFFFFFF  }
0x3f: {  	_ =	task.clear_ibuf [dreg:s7], $0x2FFFF;
	_ =	strace $0x9FFFFFFF  }
0x40: {  	(tm) =	ssettm $0x7FFFFFFF  }
0x41: {  	_ =	shalt  }
tec
execute0_lowered:
.L_overlay_start_1:
0x0: {  	(tag) =	ssettag $0x1  }
0x1: {  	s0 =	rddreg [dreg:$0x0];
	_ =	strace $0x80000047  }
0x2: {  	s2 =	stileid.u32;
	s30 =	srdreg.scid;
	s3 =	simm.s32 $0x1  }
0x3: {  	s31 =	simm.s32 $0x2;
	s21 =	simm.s32 $0x0;
	s10 =	simm.s32 $0x1000  }
0x4: {  	s20 =	simm.s32 $0x0;
	s22 =	simm.s32 $0x0;
	s23 =	simm.s32 $0x0  }
0x5: {  	s11 =	simm.s32 $0x0;
	s12 =	simm.s32 $0x0;
	s14 =	simm.s32 $0x0  }
0x6: {  	s16 =	simm.s32 $0x0;
	s15 =	simm.s32 $0x0;
	s18 =	simm.s32 $0x0  }
.Ltmp0:
0x7: {  	s13 =	simm.s32 $0x0;
	s0 =	sadd.s32 $0x800, s0;
	(pc) =	sbr.rel .LBB1_1-.Ltmp0, $4  }
0x8: {  	s1 =	sshll.u32 s2, $0x4;
	[dreg:$0x3] =	wrdreg s0;
	s0 =	sshll.u32 s30, $0x8  }
0x9: {  	[sflag:s3] =	ssyncpa.u1 $0x0;
	s8 =	sand.u32 $0x7, s2;
	s0 =	sor.u32 s1, s0  }
0xa: {  	[sflag:s31] =	ssyncpa.u1 $0x0;
	[dreg:$0x4] =	wrdreg s8;
	s9 =	sand.u32 $0x180, s0  }
0xb: {  	s19 =	smov.u32 s8;
	s17 =	smov.u32 s9;
	[dreg:$0x5] =	wrdreg s9  }
.LBB1_18:
0xc: {  	s11 =	rddreg [dreg:$0x6]  }
0xd: {  	s12 =	rddreg [dreg:$0x7]  }
0xe: {  	s4 =	rddreg [dreg:$0x14]  }
0xf: {  	s5 =	rddreg [dreg:$0x15]  }
0x10: {  	s23 =	rddreg [dreg:$0x13]  }
0x11: {  	s16 =	rddreg [dreg:$0xb]  }
0x12: {  	s14 =	rddreg [dreg:$0x9]  }
0x13: {  	s27 =	rddreg [dreg:$0x1]  }
0x14: {  	s30 =	rddreg [dreg:$0x16]  }
0x15: {  	s8 =	rddreg [dreg:$0x4]  }
0x16: {  	s9 =	rddreg [dreg:$0x5]  }
0x17: {  	s13 =	rddreg [dreg:$0x8]  }
0x18: {  	s15 =	rddreg [dreg:$0xa]  }
0x19: {  	s17 =	rddreg [dreg:$0xc]  }
0x1a: {  	s18 =	rddreg [dreg:$0xd]  }
0x1b: {  	s19 =	rddreg [dreg:$0xe]  }
0x1c: {  	s10 =	simm.s32 $0x1000;
	s20 =	rddreg [dreg:$0xf];
	s0 =	sshll.u32 s11, $0x9  }
0x1d: {  	s1 =	sshll.u32 s12, $0x3;
	s2 =	sshll.u32 s11, $0x7;
	p0 =	sgt.s32 s12, $0x180  }
0x1e: {  	s3 =	smov.u32 s12;
	s24 =	sand.u32 $0x78, s12;
	s25 =	smul.u32 $0x4B000, s16  }
0x1f: {  	s26 =	smul.u32 $0x6400, s14;
	s28 =	sand.u32 $0x7, s12;
	s0 =	sand.u32 $0xFFFFF000, s0  }
0x20: {  	s1 =	sand.u32 $0xFFFFFC00, s1;
	s21 =	sand.u32 $0x200, s2;
	s3 =	simm.s32 @!p0 $0x180  }
0x21: {  	p0 =	sgt.s32 s11, $0x110;
	s2 =	sand.u32 $0x180, s2;
	s29 =	sshll.u32 s28, $0x12  }
0x22: {  	s0 =	sadd.s32 s1, s0;
	s1 =	smov.u32 s11;
	s3 =	sadd.s32 s4, s3  }
0x23: {  	s2 =	sor.u32 s24, s2;
	s31 =	sor.u32 $0x400, s29;
	s0 =	sor.u32 s21, s0  }
0x24: {  	s1 =	simm.s32 @!p0 $0x110;
	s4 =	sadd.s32 $0xFFFFFE80, s3;
	s0 =	sshrl.u32 s0, $0x9  }
0x25: {  	s3 =	ssub.s32 $0x200, s3;
	s2 =	sshrl.u32 s2, $0x3;
	s22 =	smulhi.u32 $0xA3D70B, s0  }
0x26: {  	s21 =	rddreg [dreg:$0x10];
	s1 =	sadd.s32 s5, s1;
	p0 =	sgt.s32 s4, $0x7F  }
0x27: {  	s5 =	sadd.s32 $0xFFFFFEF0, s1;
	s3 =	simm.s32 @p0 $0x0;
	s4 =	smul.u32 $0x190, s22  }
0x28: {  	s1 =	ssub.s32 $0x190, s1;
	p0 =	sgt.s32 s5, $0x7F;
	s3 =	smul.u32 s23, s3  }
0x29: {  	s1 =	simm.s32 @p0 $0x0;
	s0 =	ssub.s32 s0, s4;
	s4 =	sadd.s32 s27, s25  }
0x2a: {  	s23 =	rddreg [dreg:$0x12];
	s1 =	smul.u32 s1, s3;
	s3 =	sadd.s32 s26, s4  }
0x2b: {  	s22 =	rddreg [dreg:$0x11];
	s0 =	sshll.u32 s0, $0x6;
	s2 =	sadd.s32 s2, s3  }
0x2c: {  	s1 =	sand.u32 $0x3FFFFFFF, s1;
	s4 =	sor.u32 $0x8000, s30;
	s0 =	sadd.s32 s0, s2  }
0x2d: {  	[hbm4b:s0+s31] =	stream.strided.scatter [tilespmem:s4], [sflag:$0x2], s1, s10, s31, $0x20;
	[tilespmem:$0x10100] =	vst v63  }
.LBB1_19:
0x2e: {  	p0 =	slt.u32 s13, $0x2  }
0x2f: {  	s0 =	smov.u32 s23;
	s2 =	smov.u32 s22;
	p1 =	sgt.s32 @!p0 s23, $0x7  }
0x30: {  	s5 =	smov.u32 s17;
	s1 =	sshra.s32 @!p0 s23, $0x1F;
	p1 =	por !p1, p0  }
0x31: {  	s13 =	sadd.s32 $0x1, s13;
	s1 =	sand.u32 @!p0 s1, s23;
	s0 =	simm.s32 @p1 $0x7  }
0x32: {  	s3 =	sshra.s32 @!p0 s22, $0x1F;
	p1 =	sgt.s32 @!p0 s22, $0xB;
	s0 =	ssub.s32 @!p0 s0, s1  }
0x33: {  	s4 =	sshra.s32 @!p0 s20, $0x1F;
	p1 =	por !p1, p0;
	s1 =	sadd.s32 @!p0 $0xFFFFFFF9, s0  }
0x34: {  	s2 =	simm.s32 @p1 $0xB;
	s0 =	ssub.s32 @!p0 $0x8, s0;
	p2 =	sgt.s32 @!p0 s1, $0x0  }
0x35: {  	s1 =	sand.u32 @!p0 s3, s22;
	s3 =	sshra.s32 @!p0 s21, $0x1F;
	p1 =	por !p2, p0  }
0x36: {  	s1 =	ssub.s32 @!p0 s2, s1;
	p2 =	sgt.s32 @!p0 s21, $0x110;
	s3 =	sand.u32 @!p0 s3, s21  }
0x37: {  	s0 =	simm.s32 @!p1 $0x0;
	s2 =	sadd.s32 @!p0 $0xFFFFFFF5, s1;
	s1 =	ssub.s32 @!p0 $0xC, s1  }
0x38: {  	p2 =	por !p2, p0;
	p1 =	sgt.s32 @!p0 s2, $0x0;
	s2 =	smov.u32 s21  }
0x39: {  	p1 =	por !p1, p0;
	s2 =	simm.s32 @p2 $0x110;
	p2 =	sgt.s32 @!p0 s20, $0x180  }
0x3a: {  	s2 =	ssub.s32 @!p0 s2, s3;
	p2 =	por !p2, p0;
	s3 =	smov.u32 s20  }
0x3b: {  	s4 =	sand.u32 @!p0 s4, s20;
	s1 =	simm.s32 @!p1 $0x0;
	s3 =	simm.s32 @p2 $0x180  }
0x3c: {  	s0 =	smul.u32 @!p0 s0, s1;
	s1 =	sadd.s32 @!p0 $0xFFFFFEF0, s2;
	s3 =	ssub.s32 @!p0 s3, s4  }
0x3d: {  	p1 =	sgt.s32 @!p0 s1, $0x7F;
	s1 =	ssub.s32 @!p0 $0x190, s2;
	s2 =	sadd.s32 @!p0 $0xFFFFFE80, s3  }
0x3e: {  	p2 =	sgt.s32 @!p0 s2, $0x7F;
	s2 =	ssub.s32 @!p0 $0x200, s3;
	s3 =	sadd.s32 $0x80, s15  }
0x3f: {  	s4 =	sadd.s32 $0x200, s17;
	p2 =	por !p2, p0;
	p3 =	sgt.s32 s3, $0x18F  }
0x40: {  	p1 =	por !p1, p0;
	s2 =	simm.s32 @!p2 $0x0;
	s5 =	smov.u32 @p3 s4  }
0x41: {  	s0 =	smul.u32 @!p0 s2, s0;
	p2 =	sgt.s32 s5, $0x18F;
	s2 =	simm.s32 $0x1  }
0x42: {  	s23 =	smov.u32 s16;
	s1 =	simm.s32 @!p1 $0x0;
	s2 =	simm.s32 @!p2 $0x0  }
0x43: {  	s16 =	smov.u32 s19;
	s0 =	smul.u32 @!p0 s1, s0;
	s1 =	sadd.s32 s2, s18  }
0x44: {  	s4 =	smov.u32 s19;
	s2 =	sadd.s32 $0x8, s19;
	p1 =	sgt.s32 s1, $0xB  }
0x45: {  	s22 =	smov.u32 s14;
	s14 =	smov.u32 s18;
	s4 =	smov.u32 @p1 s2  }
0x46: {  	s21 =	smov.u32 s11;
	s1 =	simm.s32 @p1 $0x0;
	p1 =	sgt.s32 s4, $0x7  }
0x47: {  	s11 =	smov.u32 s15;
	s4 =	smov.u32 @p1 s8;
	p1 =	sne.s32 s13, $0x32  }
.Ltmp1:
0x48: {  	s20 =	smov.u32 s12;
	s12 =	smov.u32 s17;
	(pc) =	sbr.rel @!p1 .LBB1_20-.Ltmp1, $4  }
0x49: {  	s3 =	simm.s32 @p3 $0x0;
	s0 =	sand.u32 @!p0 $0x3FFFFFFF, s0;
	s2 =	simm.s32 @!p0 $0x2  }
0x4a: {  	s15 =	smov.u32 s3;
	s5 =	smov.u32 @p2 s9;
	_ =	swait.ge @!p0 [sflag:s2], s0  }
0x4b: {  	s17 =	smov.u32 s5;
	s0 =	ssub.s32 @!p0 $0x0, s0;
	[sflag:s2] =	ssyncset.done @!p0 $0x0  }
0x4c: {  	s18 =	smov.u32 s1;
	[sflag:s2] =	ssyncadd.s32 @!p0 s0;
	s19 =	smov.u32 s4  }
.LBB1_1:
0x4d: {  	p0 =	sgt.u32 s13, $0x2F  }
.Ltmp2:
0x4e: {  	_ = 	snop;
	(pc) =	sbr.rel @p0 .LBB1_3-.Ltmp2, $1  }
0x4f: {  	_ =	sdelay $0x3  }
0x50: {  	s0 =	sand.u32 $0x78, s15;
	s1 =	sshll.u32 s17, $0x9  }
0x51: {  	s2 =	sshll.u32 s15, $0x3;
	s3 =	sshll.u32 s17, $0x7;
	p0 =	sgt.s32 s19, $0x7  }
0x52: {  	s26 =	sshra.s32 s19, $0x1F;
	s4 =	smov.u32 s18;
	s5 =	sshra.s32 s18, $0x1F  }
0x53: {  	s29 =	sshra.s32 s17, $0x1F;
	s31 =	sshra.s32 s15, $0x1F;
	s1 =	sand.u32 $0xFFFFF000, s1  }
0x54: {  	s2 =	sand.u32 $0xFFFFFC00, s2;
	s25 =	sand.u32 $0x200, s3;
	s3 =	sand.u32 $0x180, s3  }
0x55: {  	s27 =	sand.u32 s5, s18;
	s30 =	sand.u32 s29, s17;
	s29 =	sand.u32 $0x7, s15  }
0x56: {  	s1 =	sadd.s32 s1, s2;
	s0 =	sor.u32 s0, s3;
	s2 =	smov.u32 s19  }
0x57: {  	s3 =	sand.u32 s26, s19;
	s26 =	smul.u32 $0x6400, s18;
	s1 =	sor.u32 s25, s1  }
0x58: {  	s2 =	simm.s32 @!p0 $0x7;
	p0 =	sgt.s32 s18, $0xB;
	s25 =	smul.u32 $0x4B000, s19  }
0x59: {  	s0 =	sshrl.u32 s0, $0x3;
	s1 =	sshrl.u32 s1, $0x9;
	s2 =	ssub.s32 s2, s3  }
0x5a: {  	s4 =	simm.s32 @!p0 $0xB;
	s28 =	smulhi.u32 $0xA3D70B, s1;
	s6 =	sadd.s32 $0xFFFFFFF9, s2  }
0x5b: {  	s3 =	ssub.s32 s4, s27;
	s2 =	ssub.s32 $0x8, s2;
	p0 =	sgt.s32 s6, $0x0  }
0x5c: {  	s4 =	sadd.s32 $0xFFFFFFF5, s3;
	s3 =	ssub.s32 $0xC, s3;
	s6 =	sand.u32 s31, s15  }
0x5d: {  	s2 =	simm.s32 @p0 $0x0;
	p0 =	sgt.s32 s4, $0x0;
	s4 =	smov.u32 s17  }
0x5e: {  	s5 =	smul.u32 $0x190, s28;
	s3 =	simm.s32 @p0 $0x0;
	p0 =	sgt.s32 s17, $0x110  }
0x5f: {  	s28 =	rddreg [dreg:$0x3];
	s2 =	smul.u32 s2, s3;
	s4 =	simm.s32 @!p0 $0x110  }
0x60: {  	p0 =	sgt.s32 s15, $0x180;
	s3 =	ssub.s32 s4, s30;
	s4 =	smov.u32 s15  }
0x61: {  	s1 =	ssub.s32 s1, s5;
	s7 =	sadd.s32 $0xFFFFFEF0, s3;
	s4 =	simm.s32 @!p0 $0x180  }
0x62: {  	s3 =	ssub.s32 $0x190, s3;
	p0 =	sgt.s32 s7, $0x7F;
	s4 =	ssub.s32 s4, s6  }
0x63: {  	s1 =	sshll.u32 s1, $0x6;
	s3 =	simm.s32 @p0 $0x0;
	s24 =	sadd.s32 $0xFFFFFE80, s4  }
0x64: {  	s2 =	smul.u32 s3, s2;
	p0 =	sgt.s32 s24, $0x7F;
	s3 =	ssub.s32 $0x200, s4  }
0x65: {  	s30 =	sshll.u32 s29, $0x12;
	s4 =	sadd.s32 s28, s25;
	s3 =	simm.s32 @p0 $0x0  }
0x66: {  	s7 =	sxor.u32 $0xFFFFFFFF, s13;
	s4 =	sadd.s32 s26, s4;
	s2 =	smul.u32 s3, s2  }
0x67: {  	s31 =	sor.u32 $0x400, s30;
	s6 =	sshll.u32 s7, $0xE;
	s0 =	sadd.s32 s0, s4  }
0x68: {  	s27 =	sand.u32 $0x4000, s6;
	s0 =	sadd.s32 s1, s0;
	s2 =	sand.u32 $0x3FFFFFFF, s2  }
0x69: {  	[tilespmem:s27], [sflag:$0x1] =	stream.strided.gather [hbm4b:s0+s31], s2, s10, s31, $0x38;
	[tilespmem:$0x10100] =	vst v63  }
.LBB1_3:
0x6a: {  	p0 =	seq.s32 s13, $0x0  }
0x6b: {  	p1 =	seq.s32 @!p0 s13, $0x31  }
0x6c: {  	p0 =	por p0, p1  }
.Ltmp3:
0x6d: {  	_ = 	snop;
	(pc) =	sbr.rel @p0 .LBB1_19-.Ltmp3, $1  }
0x6e: {  	_ =	sdelay $0x3  }
0x6f: {  	[dreg:$0x12] =	wrdreg s23  }
0x70: {  	[dreg:$0x11] =	wrdreg s22  }
0x71: {  	[dreg:$0x10] =	wrdreg s21  }
0x72: {  	[dreg:$0xf] =	wrdreg s20  }
0x73: {  	[dreg:$0xe] =	wrdreg s19  }
0x74: {  	[dreg:$0xd] =	wrdreg s18  }
0x75: {  	[dreg:$0xc] =	wrdreg s17  }
0x76: {  	[dreg:$0xa] =	wrdreg s15;
	p0 =	sgt.s32 s16, $0x7;
	s0 =	smov.u32 s16  }
0x77: {  	s1 =	sshra.s32 s16, $0x1F;
	s2 =	sshra.s32 s14, $0x1F;
	s19 =	ssub.s32 $0x0, s12  }
0x78: {  	s20 =	sshra.s32 s12, $0x1F;
	p1 =	sgt.s32 s12, $0x110;
	s4 =	smov.u32 s12  }
0x79: {  	s23 =	ssub.s32 $0x0, s11;
	s24 =	sshra.s32 s11, $0x1F;
	s0 =	simm.s32 @!p0 $0x7  }
0x7a: {  	s1 =	sand.u32 s1, s16;
	p0 =	sgt.s32 s14, $0xB;
	s2 =	sand.u32 s2, s14  }
0x7b: {  	s4 =	simm.s32 @!p1 $0x110;
	s0 =	ssub.s32 s0, s1;
	s1 =	smov.u32 s14  }
0x7c: {  	s3 =	sadd.s32 $0xFFFFFFF9, s0;
	s1 =	simm.s32 @!p0 $0xB;
	s0 =	ssub.s32 $0x8, s0  }
0x7d: {  	p0 =	sgt.s32 s3, $0x0;
	s1 =	ssub.s32 s1, s2;
	s2 =	sand.u32 s19, s20  }
0x7e: {  	s3 =	smov.u32 s11;
	s5 =	sadd.s32 $0xFFFFFFF5, s1;
	s1 =	ssub.s32 $0xC, s1  }
0x7f: {  	[dreg:$0x14] =	wrdreg s2;
	s2 =	sadd.s32 s2, s4;
	s0 =	simm.s32 @p0 $0x0  }
0x80: {  	p1 =	sgt.s32 s5, $0x0;
	s21 =	sadd.s32 $0xFFFFFEF0, s2;
	s2 =	ssub.s32 $0x190, s2  }
0x81: {  	s1 =	simm.s32 @p1 $0x0;
	p0 =	sgt.s32 s21, $0x7F;
	p1 =	sgt.s32 s11, $0x180  }
0x82: {  	s22 =	smul.u32 s0, s1;
	s0 =	sand.u32 s23, s24;
	s3 =	simm.s32 @!p1 $0x180  }
0x83: {  	s2 =	simm.s32 @p0 $0x0;
	[dreg:$0x15] =	wrdreg s0;
	s0 =	sadd.s32 s0, s3  }
0x84: {  	[dreg:$0x6] =	wrdreg s11;
	s25 =	smul.u32 s2, s22;
	s26 =	sadd.s32 $0xFFFFFE80, s0  }
0x85: {  	s0 =	ssub.s32 $0x200, s0;
	s2 =	sadd.s32 $0x1, s16;
	p0 =	sgt.s32 s26, $0x7F  }
0x86: {  	s3 =	sadd.s32 $0x1, s14;
	s0 =	simm.s32 @p0 $0x0;
	p0 =	slt.s32 s2, $0x8  }
0x87: {  	[dreg:$0xb] =	wrdreg s16;
	s2 =	simm.s32 @!p0 $0x8;
	p0 =	slt.s32 s3, $0xC  }
0x88: {  	s1 =	sadd.s32 $0x80, s12;
	s2 =	ssub.s32 s2, s16;
	s3 =	simm.s32 @!p0 $0xC  }
0x89: {  	p1 =	slt.s32 s1, $0x190;
	s3 =	ssub.s32 s3, s14;
	p0 =	slt.s32 s2, $0x1  }
0x8a: {  	[dreg:$0x9] =	wrdreg s14;
	s1 =	simm.s32 @!p1 $0x190;
	p1 =	slt.s32 @!p0 s3, $0x1  }
0x8b: {  	[dreg:$0x7] =	wrdreg s12;
	s27 =	ssub.s32 s1, s12;
	p1 =	por p0, p1  }
0x8c: {  	[dreg:$0x8] =	wrdreg s13;
	p2 =	slt.s32 @!p1 s27, $0x1  }
0x8d: {  	[dreg:$0x13] =	wrdreg s22;
	s0 =	smul.u32 s0, s25;
	p1 =	por p1, p2  }
.Ltmp4:
0x8e: {  	s29 =	simm.s32 $0x1;
	[dreg:$0x17] =	wrdreg s2;
	(pc) =	sbr.rel @p1 .LBB1_18-.Ltmp4, $4  }
0x8f: {  	s28 =	sand.u32 $0x3FFFFFFF, s0;
	s0 =	sand.u32 $0x1, s13;
	[dreg:$0x18] =	wrdreg s3  }
0x90: {  	s31 =	smul.u32 $0x4080, s0;
	_ =	swait.ge [sflag:s29], s28  }
0x91: {  	s30 =	ssub.s32 $0x0, s28;
	[sflag:s29] =	ssyncset.done $0x0  }
0x92: {  	[dreg:$0x16] =	wrdreg s31;
	[sflag:s29] =	ssyncadd.s32 s30  }
0x93: {  	s2 =	rddreg [dreg:$0x6]  }
0x94: {  	s1 =	sadd.s32 $0x80, s2  }
0x95: {  	p1 =	slt.s32 s1, $0x190  }
0x96: {  	s1 =	simm.s32 @!p1 $0x190  }
.Ltmp5:
0x97: {  	s1 =	ssub.s32 s1, s2;
	(pc) =	sbr.rel .LBB1_6-.Ltmp5, $4  }
0x98: {  	s30 =	sshll.u32 @!p0 s0, $0xE;
	s0 =	rddreg [dreg:$0x16];
	s2 =	sadd.s32 $0xF, s1  }
0x99: {  	s31 =	sor.u32 @!p0 $0x8000, s0;
	s28 =	sand.u32 $0xFFFFFFF0, s2  }
0x9a: {  	s29 =	sand.u32 @!p0 $0xFFFFFF00, s2;
	s1 =	sshll.u32 s2, $0x3;
	p0 =	slt.s32 s2, $0x100  }
0x9b: {  	s0 =	sand.u32 $0xFFFFF800, s1;
	s1 =	simm.s32 $0x0;
	p1 =	sge.s32 s29, s28  }
.LBB1_17:
0x9c: {  	s1 =	sadd.s32 $0x1, s1;
	s2 =	rddreg [dreg:$0x17]  }
0x9d: {  	p2 =	sne.s32 s1, s2  }
.Ltmp6:
0x9e: {  	_ = 	snop;
	(pc) =	sbr.rel @!p2 .LBB1_18-.Ltmp6, $1  }
0x9f: {  	_ =	sdelay $0x3  }
.LBB1_6:
.Ltmp7:
0xa0: {  	(pc) =	sbr.rel .LBB1_7-.Ltmp7, $2  }
0xa1: {  	_ =	sdelay $0x2  }
0xa2: {  	s2 =	simm.s32 $0x0  }
.LBB1_16:
0xa3: {  	s2 =	sadd.s32 $0x1, s2;
	s3 =	rddreg [dreg:$0x18]  }
0xa4: {  	p2 =	sne.s32 s2, s3  }
.Ltmp8:
0xa5: {  	_ = 	snop;
	(pc) =	sbr.rel @!p2 .LBB1_17-.Ltmp8, $1  }
0xa6: {  	_ =	sdelay $0x3  }
.LBB1_7:
.Ltmp9:
0xa7: {  	s3 =	sadd.s32 s1, s2;
	(pc) =	sbr.rel .LBB1_8-.Ltmp9, $3  }
0xa8: {  	s4 =	sshll.u32 s3, $0x10;
	s3 =	smul.u32 $0x10200, s3;
	_ =	sdelay $0x1  }
0xa9: {  	s5 =	simm.s32 $0x400;
	s4 =	sshra.s32 s4, $0x2;
	s3 =	sshra.s32 s3, $0x2  }
0xaa: {  	s7 =	sadd.s32 s4, s30;
	s4 =	simm.s32 $0x0;
	s3 =	sadd.s32 s3, s31  }
.LBB1_15:
0xab: {  	s4 =	sadd.s32 $0x1, s4  }
0xac: {  	p2 =	sne.s32 s4, s27  }
.Ltmp10:
0xad: {  	_ = 	snop;
	(pc) =	sbr.rel @!p2 .LBB1_16-.Ltmp10, $2  }
0xae: {  	_ =	sdelay $0x2  }
0xaf: {  	s5 =	sadd.s32 $0x80, s5  }
.LBB1_8:
.Ltmp11:
0xb0: {  	(pc) =	sbr.rel @p0 .LBB1_12-.Ltmp11, $2  }
0xb1: {  	_ =	sdelay $0x2  }
0xb2: {  	s6 =	sshll.u32 s4, $0x7;
	s24 =	sand.u32 $0x7F, s4  }
0xb3: {  	s10 =	sshll.u32 s4, $0x3  }
0xb4: {  	s13 =	sand.u32 $0x380, s6;
	s8 =	sshrl.u32 s10, $0x7  }
0xb5: {  	s9 =	sadd.s32 $0x800, s10;
	s15 =	sadd.s32 $0x1000, s10;
	s18 =	sadd.s32 $0x1800, s10  }
0xb6: {  	s20 =	sadd.s32 $0x2800, s10;
	s26 =	sadd.s32 $0x3000, s10;
	s10 =	sadd.s32 $0x3800, s10  }
0xb7: {  	s11 =	sand.u32 $0x78, s8;
	s9 =	sshrl.u32 s9, $0x7;
	s17 =	sshrl.u32 s15, $0x7  }
0xb8: {  	s15 =	sshrl.u32 s18, $0x7;
	s25 =	sshrl.u32 s20, $0x7;
	s10 =	sshrl.u32 s10, $0x7  }
0xb9: {  	s20 =	sadd.s32 $0x10, s8;
	s12 =	smul.u32 $0x204, s11;
	s9 =	sand.u32 $0x78, s9  }
0xba: {  	s19 =	sand.u32 $0x78, s15;
	s11 =	sxor.u32 $0x40, s11;
	s14 =	smul.u32 $0x204, s9  }
0xbb: {  	s15 =	sshrl.u32 s26, $0x7;
	s10 =	sand.u32 $0x78, s10;
	s11 =	smul.u32 $0x204, s11  }
0xbc: {  	s9 =	sadd.s32 s13, s7;
	s13 =	sand.u32 $0x78, s17;
	s10 =	smul.u32 $0x204, s10  }
0xbd: {  	s26 =	sadd.s32 $0x30, s8;
	s12 =	sshrl.u32 s12, $0x2;
	s13 =	smul.u32 $0x204, s13  }
0xbe: {  	v0 =	vmov s9;
	s9 =	sand.u32 $0x3C00, s5;
	s12 =	sadd.s32 s12, s3;
	s14 =	sshrl.u32 s14, $0x2  }
0xbf: {  	s11 =	sshrl.u32 s11, $0x2;
	s10 =	sshrl.u32 s10, $0x2;
	s14 =	sadd.s32 s14, s3  }
0xc0: {  	s21 =	sadd.s32 s24, s12;
	s13 =	sshrl.u32 s13, $0x2;
	s12 =	smul.u32 $0x204, s19  }
0xc1: {  	s11 =	sadd.s32 s11, s3;
	s10 =	sadd.s32 s10, s3;
	s22 =	sadd.s32 s24, s14  }
0xc2: {  	s13 =	sadd.s32 s13, s3;
	s17 =	sadd.s32 s24, s11;
	s11 =	sand.u32 $0x78, s15  }
0xc3: {  	s15 =	sadd.s32 s24, s10;
	s23 =	sadd.s32 s24, s13;
	s13 =	sand.u32 $0x78, s25  }
0xc4: {  	s12 =	sshrl.u32 s12, $0x2;
	s25 =	sadd.s32 $0x20, s8;
	s13 =	smul.u32 $0x204, s13  }
0xc5: {  	s19 =	smul.u32 $0x204, s11;
	s12 =	sadd.s32 s12, s3;
	s14 =	sand.u32 $0x78, s25  }
0xc6: {  	s18 =	sadd.s32 s24, s12;
	s14 =	smul.u32 $0x204, s14;
	s16 =	sshrl.u32 s13, $0x2  }
0xc7: {  	s13 =	sshrl.u32 s19, $0x2;
	s19 =	sadd.s32 $0x60, s8;
	s12 =	sadd.s32 s16, s3  }
0xc8: {  	s14 =	sshrl.u32 s14, $0x2;
	s16 =	sadd.s32 $0x50, s8;
	s19 =	sand.u32 $0x78, s19  }
0xc9: {  	s11 =	sadd.s32 s24, s12;
	s12 =	sand.u32 $0x78, s20;
	s25 =	smul.u32 $0x204, s19  }
0xca: {  	s8 =	sadd.s32 $0x70, s8;
	s16 =	sand.u32 $0x78, s16;
	s12 =	smul.u32 $0x204, s12  }
0xcb: {  	s8 =	sand.u32 $0x78, s8;
	s14 =	sadd.s32 s14, s3;
	s16 =	smul.u32 $0x204, s16  }
0xcc: {  	s8 =	smul.u32 $0x204, s8;
	s19 =	sadd.s32 s24, s14;
	s12 =	sshrl.u32 s12, $0x2  }
0xcd: {  	v1 =	vld.idx.msk [tilespmem:v0+s9+$0x0 ss:$0x1], $0xffff;
	s25 =	sshrl.u32 s25, $0x2;
	s10 =	sadd.s32 s12, s3;
	s12 =	sand.u32 $0x78, s26  }
0xce: {  	s8 =	sshrl.u32 s8, $0x2;
	s14 =	sadd.s32 s25, s3;
	s12 =	smul.u32 $0x204, s12  }
0xcf: {  	s16 =	sshrl.u32 s16, $0x2;
	s26 =	sadd.s32 s8, s3;
	s8 =	sadd.s32 s24, s14  }
0xd0: {  	s14 =	sadd.s32 s24, s26;
	s26 =	sadd.s32 $0xFFFFFC00, s5;
	s12 =	sshrl.u32 s12, $0x2  }
0xd1: {  	s20 =	sadd.s32 s12, s3;
	s12 =	sadd.s32 s24, s10;
	s10 =	sadd.s32 s16, s3  }
0xd2: {  	[tilespmem:s21+$0x0 ss:$0x81] =	vst.msk $0xffff, v1;
	v1 =	vld.idx.msk [tilespmem:v0+s9+$0x20 ss:$0x1], $0xffff;
	s16 =	sadd.s32 s24, s10;
	s10 =	sand.u32 $0x3C00, s26  }
0xd3: {  	v2 =	vld.idx.msk [tilespmem:v0+s10+$0x70 ss:$0x1], $0xffff  }
0xd4: {  	v3 =	vld.idx.msk [tilespmem:v0+s10+$0x0 ss:$0x1], $0xffff  }
0xd5: {  	v4 =	vld.idx.msk [tilespmem:v0+s10+$0x10 ss:$0x1], $0xffff  }
0xd6: {  	v5 =	vld.idx.msk [tilespmem:v0+s10+$0x20 ss:$0x1], $0xffff  }
0xd7: {  	v6 =	vld.idx.msk [tilespmem:v0+s10+$0x30 ss:$0x1], $0xffff  }
0xd8: {  	v7 =	vld.idx.msk [tilespmem:v0+s10+$0x40 ss:$0x1], $0xffff;
	[tilespmem:s15+$0x0 ss:$0x81] =	vst.msk $0xffff, v2  }
0xd9: {  	v8 =	vld.idx.msk [tilespmem:v0+s10+$0x50 ss:$0x1], $0xffff;
	[tilespmem:s21+$0x0 ss:$0x81] =	vst.msk $0xffff, v3  }
0xda: {  	p2 =	sgt.s32 s29, $0x100;
	v9 =	vld.idx.msk [tilespmem:v0+s10+$0x60 ss:$0x1], $0xffff;
	[tilespmem:s22+$0x0 ss:$0x81] =	vst.msk $0xffff, v4  }
.Ltmp12:
0xdb: {  	v4 =	vld.idx.msk [tilespmem:v0+s9+$0x10 ss:$0x1], $0xffff;
	[tilespmem:s23+$0x0 ss:$0x81] =	vst.msk $0xffff, v5;
	(pc) =	sbr.rel @!p2 .LBB1_11-.Ltmp12, $4  }
0xdc: {  	[tilespmem:s18+$0x0 ss:$0x81] =	vst.msk $0xffff, v6;
	v2 =	vld.idx.msk [tilespmem:v0+s9+$0x30 ss:$0x1], $0xffff  }
0xdd: {  	s13 =	sadd.s32 s13, s3;
	[tilespmem:s17+$0x0 ss:$0x81] =	vst.msk $0xffff, v7;
	v3 =	vld.idx.msk [tilespmem:v0+s9+$0x40 ss:$0x1], $0xffff  }
0xde: {  	s13 =	sadd.s32 s24, s13;
	[tilespmem:s11+$0x0 ss:$0x81] =	vst.msk $0xffff, v8;
	v5 =	vld.idx.msk [tilespmem:v0+s9+$0x50 ss:$0x1], $0xffff  }
0xdf: {  	s25 =	sadd.s32 $0x800, s5;
	s20 =	sadd.s32 s24, s20;
	s10 =	simm.s32 $0x100;
	[tilespmem:s13+$0x0 ss:$0x81] =	vst.msk $0xffff, v9;
	v6 =	vld.idx.msk [tilespmem:v0+s9+$0x60 ss:$0x1], $0xffff  }
.LBB1_10:
0xe0: {  	s26 =	sadd.s32 $0xFFFFFC00, s25;
	s10 =	sadd.s32 $0x100, s10;
	[tilespmem:s12+$0x0 ss:$0x81] =	vst.msk $0xffff, v4;
	v4 =	vld.idx.msk [tilespmem:v0+s9+$0x70 ss:$0x1], $0xffff;
	s9 =	sand.u32 $0x3C00, s25  }
0xe1: {  	s26 =	sand.u32 $0x3C00, s26;
	v7 =	vld.idx.msk [tilespmem:v0+s9+$0x0 ss:$0x1], $0xffff;
	p2 =	slt.s32 s10, s29;
	[tilespmem:s19+$0x0 ss:$0x81] =	vst.msk $0xffff, v1  }
0xe2: {  	v1 =	vld.idx.msk [tilespmem:v0+s26+$0x70 ss:$0x1], $0xffff;
	[tilespmem:s20+$0x0 ss:$0x81] =	vst.msk $0xffff, v2  }
0xe3: {  	v2 =	vld.idx.msk [tilespmem:v0+s26+$0x0 ss:$0x1], $0xffff;
	[tilespmem:s17+$0x0 ss:$0x81] =	vst.msk $0xffff, v3  }
0xe4: {  	v3 =	vld.idx.msk [tilespmem:v0+s26+$0x10 ss:$0x1], $0xffff;
	[tilespmem:s16+$0x0 ss:$0x81] =	vst.msk $0xffff, v5  }
0xe5: {  	v5 =	vld.idx.msk [tilespmem:v0+s26+$0x20 ss:$0x1], $0xffff;
	[tilespmem:s8+$0x0 ss:$0x81] =	vst.msk $0xffff, v6  }
0xe6: {  	v6 =	vld.idx.msk [tilespmem:v0+s26+$0x30 ss:$0x1], $0xffff;
	[tilespmem:s14+$0x0 ss:$0x81] =	vst.msk $0xffff, v4  }
0xe7: {  	v8 =	vld.idx.msk [tilespmem:v0+s26+$0x40 ss:$0x1], $0xffff;
	[tilespmem:s21+$0x0 ss:$0x81] =	vst.msk $0xffff, v7  }
0xe8: {  	v7 =	vld.idx.msk [tilespmem:v0+s26+$0x50 ss:$0x1], $0xffff;
	[tilespmem:s15+$0x0 ss:$0x81] =	vst.msk $0xffff, v1  }
0xe9: {  	[tilespmem:s21+$0x0 ss:$0x81] =	vst.msk $0xffff, v2;
	v9 =	vld.idx.msk [tilespmem:v0+s26+$0x60 ss:$0x1], $0xffff  }
0xea: {  	[tilespmem:s22+$0x0 ss:$0x81] =	vst.msk $0xffff, v3;
	v4 =	vld.idx.msk [tilespmem:v0+s9+$0x10 ss:$0x1], $0xffff  }
.Ltmp13:
0xeb: {  	[tilespmem:s23+$0x0 ss:$0x81] =	vst.msk $0xffff, v5;
	v1 =	vld.idx.msk [tilespmem:v0+s9+$0x20 ss:$0x1], $0xffff;
	(pc) =	sbr.rel @p2 .LBB1_10-.Ltmp13, $4  }
0xec: {  	[tilespmem:s18+$0x0 ss:$0x81] =	vst.msk $0xffff, v6;
	v2 =	vld.idx.msk [tilespmem:v0+s9+$0x30 ss:$0x1], $0xffff  }
0xed: {  	[tilespmem:s17+$0x0 ss:$0x81] =	vst.msk $0xffff, v8;
	v3 =	vld.idx.msk [tilespmem:v0+s9+$0x40 ss:$0x1], $0xffff  }
0xee: {  	[tilespmem:s11+$0x0 ss:$0x81] =	vst.msk $0xffff, v7;
	v5 =	vld.idx.msk [tilespmem:v0+s9+$0x50 ss:$0x1], $0xffff  }
0xef: {  	s25 =	sadd.s32 $0x800, s25;
	[tilespmem:s13+$0x0 ss:$0x81] =	vst.msk $0xffff, v9;
	v6 =	vld.idx.msk [tilespmem:v0+s9+$0x60 ss:$0x1], $0xffff  }
.LBB1_11:
0xf0: {  	_ =	sdelay $0x2  }
0xf1: {  	[tilespmem:s12+$0x0 ss:$0x81] =	vst.msk $0xffff, v4  }
0xf2: {  	v0 =	vld.idx.msk [tilespmem:v0+s9+$0x70 ss:$0x1], $0xffff;
	[tilespmem:s19+$0x0 ss:$0x81] =	vst.msk $0xffff, v1  }
0xf3: {  	[tilespmem:s20+$0x0 ss:$0x81] =	vst.msk $0xffff, v2  }
0xf4: {  	[tilespmem:s17+$0x0 ss:$0x81] =	vst.msk $0xffff, v3  }
0xf5: {  	[tilespmem:s16+$0x0 ss:$0x81] =	vst.msk $0xffff, v5  }
0xf6: {  	[tilespmem:s8+$0x0 ss:$0x81] =	vst.msk $0xffff, v6  }
0xf7: {  	[tilespmem:s14+$0x0 ss:$0x81] =	vst.msk $0xffff, v0  }
.LBB1_12:
.Ltmp14:
0xf8: {  	(pc) =	sbr.rel @p1 .LBB1_15-.Ltmp14, $1  }
0xf9: {  	_ =	sdelay $0x3  }
0xfa: {  	s9 =	sand.u32 $0x380, s6;
	s8 =	sshrl.u32 s4, $0x4;
	s10 =	sadd.s32 s24, s3  }
0xfb: {  	s11 =	smov.u32 s0;
	s12 =	smov.u32 s29;
	s9 =	sadd.s32 s9, s7  }
.LBB1_14:
0xfc: {  	s13 =	sand.u32 $0x3C00, s11  }
0xfd: {  	s13 =	sadd.s32 s6, s13  }
0xfe: {  	s13 =	sand.u32 $0x3C00, s13  }
0xff: {  	s14 =	sand.u32 $0x70, s12;
	s25 =	sadd.s32 s12, s8;
	s13 =	sadd.s32 s13, s9  }
0x100: {  	s12 =	sadd.s32 $0x10, s12;
	s26 =	sand.u32 $0x78, s25;
	s13 =	sadd.s32 s14, s13  }
0x101: {  	p2 =	slt.s32 s12, s28;
	v0 =	vld [tilespmem:s13+$0x0];
	s13 =	smul.u32 $0x204, s26  }
.Ltmp15:
0x102: {  	_ = 	snop;
	(pc) =	sbr.rel @p2 .LBB1_14-.Ltmp15, $4  }
0x103: {  	_ = 	snop  }
0x104: {  	s13 =	sshrl.u32 s13, $0x2  }
0x105: {  	s13 =	sadd.s32 s13, s10  }
0x106: {  	s11 =	sadd.s32 $0x80, s11;
	[tilespmem:s13+$0x0 ss:$0x81] =	vst.msk $0xffff, v0  }
.Ltmp16:
0x107: {  	_ = 	snop;
	(pc) =	sbr.rel .LBB1_15-.Ltmp16, $1  }
0x108: {  	_ =	sdelay $0x3  }
.LBB1_20:
0x109: {  	_ =	sfence.sel $0x180000  }
0x10a: {  	s0 =	simm.s32 $0x1;
	[bflag:$0x0] =	sbarrier.arrive $0xFFFF  }
0x10b: {  	s30 =	simm.s32 $0x2;
	[sflag:s0] =	ssyncpa.u1 $0x1  }
0x10c: {  	[sflag:s30] =	ssyncpa.u1 $0x1  }
0x10d: {  	_ =	strace $0x90000047  }
0x10e: {  	s31 =	stileid.u32;
	[bflag:$0x2] =	sbarrier.arrive $0xFFFF  }
0x10f: {  	p0 =	sne.s32 s31, $0x0;
	s0 =	rddreg [dreg:$0x2]  }
0x110: {  	s0 =	sadd.s32 @!p0 $0x100000, s0  }
0x111: {  	[sflag:s0] =	ssyncadd.tile.s32 @!p0 $0x1;
	_ =	shalt  }
.Lfunc_end1:
_tile_overlayer_lowered:
.L_overlay_start_2:
0x112: {  	(tag) =	ssettag $0x2  }
0x113: {  	s0 =	rddreg [dreg:$0x0];
	s2 =	stileid.u32  }
0x114: {  	s1 =	rddreg [dreg:$0x1];
	p0 =	sne.s32 s2, $0x0  }
0x115: {  	s3 =	rddreg [dreg:$0x2];
	[bflag:$0x3] =	sbarrier.arrive $0xFFFF;
	s2 =	simm.s32 @!p0 $0x1C01  }
0x116: {  	[timem:s3], [sflag:s2] =	dma.local @!p0 [hbm:s0], s1  }
0x117: {  	s0 =	simm.s32 @!p0 $0x1  }
0x118: {  	_ =	swait.ge @!p0 [sflag:s0], s1  }
0x119: {  	s1 =	ssub.s32 @!p0 $0x0, s1;
	[sflag:s0] =	ssyncset.done @!p0 $0x0  }
0x11a: {  	[sflag:s0] =	ssyncadd.s32 @!p0 s1  }
0x11b: {  	[bflag:$0x3] =	sbarrier.arrive $0xFFFF  }
0x11c: {  	_ =	shalt  }

</sc_bundles>
